<compile_context>
chip_gen: v7x
topology: tpu7x:2x2x1
jax: 0.10.2.dev20260603
libtpu: 0.0.44.dev20260713+nightly
codegen_flags: <defaults>
</compile_context>

<pallas_src>
import functools

import jax
import jax.numpy as jnp
from jax import lax
from jax.experimental import pallas as pl
from jax.experimental.pallas import tpu as pltpu
from jax.experimental.pallas import tpu_sc as plsc

B, S, D = 4, 1024, 768
LANES = 16
D_VECS = D // LANES
UNROLL = 8


def _make_kernel():
    info = plsc.get_sparse_core_info()
    nc, ns = info.num_cores, info.num_subcores
    nw = nc * ns
    pos_w = S // nw

    mesh = plsc.VectorSubcoreMesh(core_axis_name="c", subcore_axis_name="s")

    @functools.partial(
        pl.kernel,
        mesh=mesh,
        out_type=jax.ShapeDtypeStruct((B, S, D), jnp.float32),
        scratch_types=[
            pltpu.VMEM((B, pos_w), jnp.int32),
            pltpu.VMEM((pos_w, D), jnp.float32),
            pltpu.VMEM((pos_w, D), jnp.float32),
            pltpu.VMEM((pos_w, D), jnp.float32),
            pltpu.VMEM((pos_w, D), jnp.float32),
            pltpu.VMEM((pos_w, D), jnp.float32),
            pltpu.SemaphoreType.DMA,
            pltpu.SemaphoreType.DMA,
            pltpu.SemaphoreType.DMA,
            pltpu.SemaphoreType.DMA,
            pltpu.SemaphoreType.DMA,
            pltpu.SemaphoreType.DMA,
            pltpu.SemaphoreType.DMA,
            pltpu.SemaphoreType.DMA,
            pltpu.SemaphoreType.DMA,
            pltpu.SemaphoreType.DMA,
            pltpu.SemaphoreType.DMA,
            pltpu.SemaphoreType.DMA,
            pltpu.SemaphoreType.DMA,
        ],
    )
    def k(ids_hbm, wte_hbm, wpe_hbm, out_hbm, idx_v, wpe_v,
          rows0, rows1, rows2, rows3,
          sg0, sg1, sg2, sg3, so0, so1, so2, so3,
          si0, si1, si2, si3, sw):
        wid = lax.axis_index("s") * nc + lax.axis_index("c")
        col = wid * pos_w

        rows = (rows0, rows1, rows2, rows3)
        sgs = (sg0, sg1, sg2, sg3)
        sos = (so0, so1, so2, so3)
        sis = (si0, si1, si2, si3)

        icps = [
            pltpu.async_copy(
                ids_hbm.at[b, pl.ds(col, pos_w)], idx_v.at[b], sis[b])
            for b in range(B)
        ]

        def start(b):
            icps[b].wait()
            return pltpu.async_copy(wte_hbm.at[idx_v.at[b]], rows[b], sgs[b])

        gcps = [start(0)]
        wcp = pltpu.async_copy(wpe_hbm.at[pl.ds(col, pos_w)], wpe_v, sw)
        gcps.append(start(1))

        out_cps = []
        for b in range(B):
            gcps[b].wait()
            if b == 0:
                wcp.wait()

            def body(i, carry):
                r = i // (D_VECS // UNROLL)
                d0 = (i % (D_VECS // UNROLL)) * UNROLL
                for u in range(UNROLL):
                    x = wpe_v[r, pl.ds(d0 * LANES + u * LANES, LANES)]
                    plsc.addupdate(
                        rows[b].at[r, pl.ds(d0 * LANES + u * LANES, LANES)], x)
                return carry

            lax.fori_loop(0, pos_w * (D_VECS // UNROLL), body, 0)
            out_cps.append(pltpu.async_copy(
                rows[b], out_hbm.at[b, pl.ds(col, pos_w)], sos[b]))
            if b + 2 < B:
                gcps.append(start(b + 2))
        for cp in out_cps:
            cp.wait()

    return k


_sc_kernel = _make_kernel()


@jax.jit
def kernel(input_ids, wte, wpe):
    ids = input_ids
    if ids.dtype != jnp.int32:
        ids = ids.astype(jnp.int32)
    return _sc_kernel(ids, wte, wpe)

# --- scband reference (transcript-rebuilt; emitter-appended) ---
"""Pipeline reference for scband-gpt2-combined-embeddings-13657996001562 (READ-ONLY COPY).

The authoritative reference and input builder live on the scoring server;
editing this copy changes nothing except your own understanding.
"""

import jax, jax.numpy as jnp
import numpy as np


def setup_inputs(seed: int = 0) -> dict:
    key = jax.random.key(seed)
    k1, k2, k3 = jax.random.split(key, 3)
    input_ids = jax.random.randint(k1, (4, 1024), 0, 50257, dtype=jnp.int64)
    wte = jax.random.normal(k2, (50257, 768), dtype=jnp.float32) * 0.02
    wpe = jax.random.normal(k3, (1024, 768), dtype=jnp.float32) * 0.02
    return {"input_ids": input_ids, "wte": wte, "wpe": wpe}


def reference(input_ids, wte, wpe):
    # word embeddings: gather rows of wte by token id
    word_embeds = jnp.take(wte, input_ids, axis=0)  # [B, S, D]
    # position embeddings: arange over last dim of input_ids
    seq_len = input_ids.shape[-1]
    position_ids = jnp.arange(seq_len, dtype=jnp.int32)
    position_embeds = jnp.take(wpe, position_ids, axis=0)  # [S, D]
    combined_embeds = word_embeds + position_embeds[None, :, :]
    return combined_embeds

if __name__ == "__main__":
    import jax
    _d = setup_inputs()
    print(jax.jit(kernel)(*tuple(_d.values())))

</pallas_src>

<mosaic_0001>
#map = affine_map<(d0, d1) -> (0, 0)>
#map1 = affine_map<(d0, d1) -> (0, 0, 0)>
module attributes {stable_mosaic.version = 14 : i64} {
  func.func @k(%arg0: i32, %arg1: i32, %arg2: memref<4x1024xi32, #tpu.memory_space<hbm>>, %arg3: memref<50257x768xf32, #tpu.memory_space<hbm>>, %arg4: memref<1024x768xf32, #tpu.memory_space<hbm>>, %arg5: memref<4x1024x768xf32, #tpu.memory_space<hbm>>, %arg6: memref<4x32xi32, #tpu.memory_space<vmem>>, %arg7: memref<32x768xf32, #tpu.memory_space<vmem>>, %arg8: memref<32x768xf32, #tpu.memory_space<vmem>>, %arg9: memref<32x768xf32, #tpu.memory_space<vmem>>, %arg10: memref<32x768xf32, #tpu.memory_space<vmem>>, %arg11: memref<32x768xf32, #tpu.memory_space<vmem>>, %arg12: memref<!tpu.dma_semaphore, #tpu.memory_space<semaphore_mem>>, %arg13: memref<!tpu.dma_semaphore, #tpu.memory_space<semaphore_mem>>, %arg14: memref<!tpu.dma_semaphore, #tpu.memory_space<semaphore_mem>>, %arg15: memref<!tpu.dma_semaphore, #tpu.memory_space<semaphore_mem>>, %arg16: memref<!tpu.dma_semaphore, #tpu.memory_space<semaphore_mem>>, %arg17: memref<!tpu.dma_semaphore, #tpu.memory_space<semaphore_mem>>, %arg18: memref<!tpu.dma_semaphore, #tpu.memory_space<semaphore_mem>>, %arg19: memref<!tpu.dma_semaphore, #tpu.memory_space<semaphore_mem>>, %arg20: memref<!tpu.dma_semaphore, #tpu.memory_space<semaphore_mem>>, %arg21: memref<!tpu.dma_semaphore, #tpu.memory_space<semaphore_mem>>, %arg22: memref<!tpu.dma_semaphore, #tpu.memory_space<semaphore_mem>>, %arg23: memref<!tpu.dma_semaphore, #tpu.memory_space<semaphore_mem>>, %arg24: memref<!tpu.dma_semaphore, #tpu.memory_space<semaphore_mem>>) attributes {dimension_semantics = [#tpu.dimension_semantics<core_parallel>, #tpu.dimension_semantics<subcore_parallel>], iteration_bounds = array<i64: 2, 16>, scalar_prefetch = 0 : i64, scratch_operands = 19 : i64, tpu.core_type = #tpu.core_type<sc_vector_subcore>, window_params = [{transform_indices = #map}, {transform_indices = #map}, {transform_indices = #map}, {transform_indices = #map1}]} {
    %mul3A = arith.constant 2 : i32
    %mul3A_0 = arith.muli %arg1, %mul3A : i32
    %add3A = arith.addi %mul3A_0, %arg0 : i32
    %mul3A_1 = arith.constant 32 : i32
    %mul3A_2 = arith.muli %add3A, %mul3A_1 : i32
    %dma_start3A = arith.constant 0 : i32
    %dma_start3A_3 = arith.constant 0 : i32
    %dma_start3A_4 = arith.constant 0 : i32
    %dma_start3A_5 = tpu.memref_slice %arg6[%dma_start3A_3, %dma_start3A_4] : memref<4x32xi32, #tpu.memory_space<vmem>> -> memref<1x32xi32, #tpu.memory_space<vmem>>
    %dma_start3A_6 = tpu.memref_squeeze %dma_start3A_5 : memref<1x32xi32, #tpu.memory_space<vmem>> -> memref<32xi32, #tpu.memory_space<vmem>>
    %dma_start3A_7 = tpu.memref_slice %arg2[%dma_start3A, %mul3A_2] : memref<4x1024xi32, #tpu.memory_space<hbm>> -> memref<1x32xi32, #tpu.memory_space<hbm>>
    %dma_start3A_8 = tpu.memref_squeeze %dma_start3A_7 : memref<1x32xi32, #tpu.memory_space<hbm>> -> memref<32xi32, #tpu.memory_space<hbm>>
    %dma_start3A_9 = arith.constant 0 : i32
    %dma_start3A_10 = tpu.memref_slice %arg6[%dma_start3A_3, %dma_start3A_9] : memref<4x32xi32, #tpu.memory_space<vmem>> -> memref<1x32xi32, #tpu.memory_space<vmem>>
    %dma_start3A_11 = tpu.memref_squeeze %dma_start3A_10 : memref<1x32xi32, #tpu.memory_space<vmem>> -> memref<32xi32, #tpu.memory_space<vmem>>
    %dma_start3A_12 = tpu.memref_slice %arg2[%dma_start3A, %mul3A_2] : memref<4x1024xi32, #tpu.memory_space<hbm>> -> memref<1x32xi32, #tpu.memory_space<hbm>>
    %dma_start3A_13 = tpu.memref_squeeze %dma_start3A_12 : memref<1x32xi32, #tpu.memory_space<hbm>> -> memref<32xi32, #tpu.memory_space<hbm>>
    tpu.enqueue_dma source(%dma_start3A_13 : memref<32xi32, #tpu.memory_space<hbm>>) target(%dma_start3A_11 : memref<32xi32, #tpu.memory_space<vmem>>) target_semaphore(%arg20 : memref<!tpu.dma_semaphore, #tpu.memory_space<semaphore_mem>>)
    %dma_start3A_14 = arith.constant 1 : i32
    %dma_start3A_15 = arith.constant 1 : i32
    %dma_start3A_16 = arith.constant 0 : i32
    %dma_start3A_17 = tpu.memref_slice %arg6[%dma_start3A_15, %dma_start3A_16] : memref<4x32xi32, #tpu.memory_space<vmem>> -> memref<1x32xi32, #tpu.memory_space<vmem>>
    %dma_start3A_18 = tpu.memref_squeeze %dma_start3A_17 : memref<1x32xi32, #tpu.memory_space<vmem>> -> memref<32xi32, #tpu.memory_space<vmem>>
    %dma_start3A_19 = tpu.memref_slice %arg2[%dma_start3A_14, %mul3A_2] : memref<4x1024xi32, #tpu.memory_space<hbm>> -> memref<1x32xi32, #tpu.memory_space<hbm>>
    %dma_start3A_20 = tpu.memref_squeeze %dma_start3A_19 : memref<1x32xi32, #tpu.memory_space<hbm>> -> memref<32xi32, #tpu.memory_space<hbm>>
    %dma_start3A_21 = arith.constant 0 : i32
    %dma_start3A_22 = tpu.memref_slice %arg6[%dma_start3A_15, %dma_start3A_21] : memref<4x32xi32, #tpu.memory_space<vmem>> -> memref<1x32xi32, #tpu.memory_space<vmem>>
    %dma_start3A_23 = tpu.memref_squeeze %dma_start3A_22 : memref<1x32xi32, #tpu.memory_space<vmem>> -> memref<32xi32, #tpu.memory_space<vmem>>
    %dma_start3A_24 = tpu.memref_slice %arg2[%dma_start3A_14, %mul3A_2] : memref<4x1024xi32, #tpu.memory_space<hbm>> -> memref<1x32xi32, #tpu.memory_space<hbm>>
    %dma_start3A_25 = tpu.memref_squeeze %dma_start3A_24 : memref<1x32xi32, #tpu.memory_space<hbm>> -> memref<32xi32, #tpu.memory_space<hbm>>
    tpu.enqueue_dma source(%dma_start3A_25 : memref<32xi32, #tpu.memory_space<hbm>>) target(%dma_start3A_23 : memref<32xi32, #tpu.memory_space<vmem>>) target_semaphore(%arg21 : memref<!tpu.dma_semaphore, #tpu.memory_space<semaphore_mem>>)
    %dma_start3A_26 = arith.constant 2 : i32
    %dma_start3A_27 = arith.constant 2 : i32
    %dma_start3A_28 = arith.constant 0 : i32
    %dma_start3A_29 = tpu.memref_slice %arg6[%dma_start3A_27, %dma_start3A_28] : memref<4x32xi32, #tpu.memory_space<vmem>> -> memref<1x32xi32, #tpu.memory_space<vmem>>
    %dma_start3A_30 = tpu.memref_squeeze %dma_start3A_29 : memref<1x32xi32, #tpu.memory_space<vmem>> -> memref<32xi32, #tpu.memory_space<vmem>>
    %dma_start3A_31 = tpu.memref_slice %arg2[%dma_start3A_26, %mul3A_2] : memref<4x1024xi32, #tpu.memory_space<hbm>> -> memref<1x32xi32, #tpu.memory_space<hbm>>
    %dma_start3A_32 = tpu.memref_squeeze %dma_start3A_31 : memref<1x32xi32, #tpu.memory_space<hbm>> -> memref<32xi32, #tpu.memory_space<hbm>>
    %dma_start3A_33 = arith.constant 0 : i32
    %dma_start3A_34 = tpu.memref_slice %arg6[%dma_start3A_27, %dma_start3A_33] : memref<4x32xi32, #tpu.memory_space<vmem>> -> memref<1x32xi32, #tpu.memory_space<vmem>>
    %dma_start3A_35 = tpu.memref_squeeze %dma_start3A_34 : memref<1x32xi32, #tpu.memory_space<vmem>> -> memref<32xi32, #tpu.memory_space<vmem>>
    %dma_start3A_36 = tpu.memref_slice %arg2[%dma_start3A_26, %mul3A_2] : memref<4x1024xi32, #tpu.memory_space<hbm>> -> memref<1x32xi32, #tpu.memory_space<hbm>>
    %dma_start3A_37 = tpu.memref_squeeze %dma_start3A_36 : memref<1x32xi32, #tpu.memory_space<hbm>> -> memref<32xi32, #tpu.memory_space<hbm>>
    tpu.enqueue_dma source(%dma_start3A_37 : memref<32xi32, #tpu.memory_space<hbm>>) target(%dma_start3A_35 : memref<32xi32, #tpu.memory_space<vmem>>) target_semaphore(%arg22 : memref<!tpu.dma_semaphore, #tpu.memory_space<semaphore_mem>>)
    %dma_start3A_38 = arith.constant 3 : i32
    %dma_start3A_39 = arith.constant 3 : i32
    %dma_start3A_40 = arith.constant 0 : i32
    %dma_start3A_41 = tpu.memref_slice %arg6[%dma_start3A_39, %dma_start3A_40] : memref<4x32xi32, #tpu.memory_space<vmem>> -> memref<1x32xi32, #tpu.memory_space<vmem>>
    %dma_start3A_42 = tpu.memref_squeeze %dma_start3A_41 : memref<1x32xi32, #tpu.memory_space<vmem>> -> memref<32xi32, #tpu.memory_space<vmem>>
    %dma_start3A_43 = tpu.memref_slice %arg2[%dma_start3A_38, %mul3A_2] : memref<4x1024xi32, #tpu.memory_space<hbm>> -> memref<1x32xi32, #tpu.memory_space<hbm>>
    %dma_start3A_44 = tpu.memref_squeeze %dma_start3A_43 : memref<1x32xi32, #tpu.memory_space<hbm>> -> memref<32xi32, #tpu.memory_space<hbm>>
    %dma_start3A_45 = arith.constant 0 : i32
    %dma_start3A_46 = tpu.memref_slice %arg6[%dma_start3A_39, %dma_start3A_45] : memref<4x32xi32, #tpu.memory_space<vmem>> -> memref<1x32xi32, #tpu.memory_space<vmem>>
    %dma_start3A_47 = tpu.memref_squeeze %dma_start3A_46 : memref<1x32xi32, #tpu.memory_space<vmem>> -> memref<32xi32, #tpu.memory_space<vmem>>
    %dma_start3A_48 = tpu.memref_slice %arg2[%dma_start3A_38, %mul3A_2] : memref<4x1024xi32, #tpu.memory_space<hbm>> -> memref<1x32xi32, #tpu.memory_space<hbm>>
    %dma_start3A_49 = tpu.memref_squeeze %dma_start3A_48 : memref<1x32xi32, #tpu.memory_space<hbm>> -> memref<32xi32, #tpu.memory_space<hbm>>
    tpu.enqueue_dma source(%dma_start3A_49 : memref<32xi32, #tpu.memory_space<hbm>>) target(%dma_start3A_47 : memref<32xi32, #tpu.memory_space<vmem>>) target_semaphore(%arg23 : memref<!tpu.dma_semaphore, #tpu.memory_space<semaphore_mem>>)
    %dma_wait3A = arith.constant 0 : i32
    %dma_wait3A_50 = arith.constant 0 : i32
    %dma_wait3A_51 = arith.constant 0 : i32
    %dma_wait3A_52 = tpu.memref_slice %arg6[%dma_wait3A_50, %dma_wait3A_51] : memref<4x32xi32, #tpu.memory_space<vmem>> -> memref<1x32xi32, #tpu.memory_space<vmem>>
    %dma_wait3A_53 = tpu.memref_squeeze %dma_wait3A_52 : memref<1x32xi32, #tpu.memory_space<vmem>> -> memref<32xi32, #tpu.memory_space<vmem>>
    %dma_wait3A_54 = tpu.memref_slice %arg2[%dma_wait3A, %mul3A_2] : memref<4x1024xi32, #tpu.memory_space<hbm>> -> memref<1x32xi32, #tpu.memory_space<hbm>>
    %dma_wait3A_55 = tpu.memref_squeeze %dma_wait3A_54 : memref<1x32xi32, #tpu.memory_space<hbm>> -> memref<32xi32, #tpu.memory_space<hbm>>
    %dma_wait3A_56 = arith.constant 0 : i32
    %dma_wait3A_57 = tpu.memref_slice %arg6[%dma_wait3A_50, %dma_wait3A_56] : memref<4x32xi32, #tpu.memory_space<vmem>> -> memref<1x32xi32, #tpu.memory_space<vmem>>
    %dma_wait3A_58 = tpu.memref_squeeze %dma_wait3A_57 : memref<1x32xi32, #tpu.memory_space<vmem>> -> memref<32xi32, #tpu.memory_space<vmem>>
    %dma_wait3A_59 = tpu.memref_slice %arg2[%dma_wait3A, %mul3A_2] : memref<4x1024xi32, #tpu.memory_space<hbm>> -> memref<1x32xi32, #tpu.memory_space<hbm>>
    %dma_wait3A_60 = tpu.memref_squeeze %dma_wait3A_59 : memref<1x32xi32, #tpu.memory_space<hbm>> -> memref<32xi32, #tpu.memory_space<hbm>>
    tpu.wait_dma2 semaphore(%arg20 : memref<!tpu.dma_semaphore, #tpu.memory_space<semaphore_mem>>) src(%dma_wait3A_60 : memref<32xi32, #tpu.memory_space<hbm>>) dst(%dma_wait3A_58 : memref<32xi32, #tpu.memory_space<vmem>>)
    %dma_start3A_61 = arith.constant 0 : i32
    %dma_start3A_62 = arith.constant 0 : i32
    %dma_start3A_63 = tpu.memref_slice %arg6[%dma_start3A_61, %dma_start3A_62] : memref<4x32xi32, #tpu.memory_space<vmem>> -> memref<1x32xi32, #tpu.memory_space<vmem>>
    %dma_start3A_64 = tpu.memref_squeeze %dma_start3A_63 : memref<1x32xi32, #tpu.memory_space<vmem>> -> memref<32xi32, #tpu.memory_space<vmem>>
    %dma_start3A_65 = arith.constant 0 : i32
    %dma_start3A_66 = arith.constant 0 : i32
    %dma_start3A_67 = tpu.memref_slice %arg3[%dma_start3A_65, %dma_start3A_66] : memref<50257x768xf32, #tpu.memory_space<hbm>> -> memref<50257x768xf32, #tpu.memory_space<hbm>>
    tpu.enqueue_indirect_dma source(%dma_start3A_67 : memref<50257x768xf32, #tpu.memory_space<hbm>>) target(%arg8 : memref<32x768xf32, #tpu.memory_space<vmem>>) offsets(%dma_start3A_64 : memref<32xi32, #tpu.memory_space<vmem>>) semaphore(%arg12 : memref<!tpu.dma_semaphore, #tpu.memory_space<semaphore_mem>>)
    %dma_start3A_68 = arith.constant 0 : i32
    %dma_start3A_69 = tpu.memref_slice %arg4[%mul3A_2, %dma_start3A_68] : memref<1024x768xf32, #tpu.memory_space<hbm>> -> memref<32x768xf32, #tpu.memory_space<hbm>>
    %dma_start3A_70 = arith.constant 0 : i32
    %dma_start3A_71 = tpu.memref_slice %arg4[%mul3A_2, %dma_start3A_70] : memref<1024x768xf32, #tpu.memory_space<hbm>> -> memref<32x768xf32, #tpu.memory_space<hbm>>
    tpu.enqueue_dma source(%dma_start3A_71 : memref<32x768xf32, #tpu.memory_space<hbm>>) target(%arg7 : memref<32x768xf32, #tpu.memory_space<vmem>>) target_semaphore(%arg24 : memref<!tpu.dma_semaphore, #tpu.memory_space<semaphore_mem>>)
    %dma_wait3A_72 = arith.constant 1 : i32
    %dma_wait3A_73 = arith.constant 1 : i32
    %dma_wait3A_74 = arith.constant 0 : i32
    %dma_wait3A_75 = tpu.memref_slice %arg6[%dma_wait3A_73, %dma_wait3A_74] : memref<4x32xi32, #tpu.memory_space<vmem>> -> memref<1x32xi32, #tpu.memory_space<vmem>>
    %dma_wait3A_76 = tpu.memref_squeeze %dma_wait3A_75 : memref<1x32xi32, #tpu.memory_space<vmem>> -> memref<32xi32, #tpu.memory_space<vmem>>
    %dma_wait3A_77 = tpu.memref_slice %arg2[%dma_wait3A_72, %mul3A_2] : memref<4x1024xi32, #tpu.memory_space<hbm>> -> memref<1x32xi32, #tpu.memory_space<hbm>>
    %dma_wait3A_78 = tpu.memref_squeeze %dma_wait3A_77 : memref<1x32xi32, #tpu.memory_space<hbm>> -> memref<32xi32, #tpu.memory_space<hbm>>
    %dma_wait3A_79 = arith.constant 0 : i32
    %dma_wait3A_80 = tpu.memref_slice %arg6[%dma_wait3A_73, %dma_wait3A_79] : memref<4x32xi32, #tpu.memory_space<vmem>> -> memref<1x32xi32, #tpu.memory_space<vmem>>
    %dma_wait3A_81 = tpu.memref_squeeze %dma_wait3A_80 : memref<1x32xi32, #tpu.memory_space<vmem>> -> memref<32xi32, #tpu.memory_space<vmem>>
    %dma_wait3A_82 = tpu.memref_slice %arg2[%dma_wait3A_72, %mul3A_2] : memref<4x1024xi32, #tpu.memory_space<hbm>> -> memref<1x32xi32, #tpu.memory_space<hbm>>
    %dma_wait3A_83 = tpu.memref_squeeze %dma_wait3A_82 : memref<1x32xi32, #tpu.memory_space<hbm>> -> memref<32xi32, #tpu.memory_space<hbm>>
    tpu.wait_dma2 semaphore(%arg21 : memref<!tpu.dma_semaphore, #tpu.memory_space<semaphore_mem>>) src(%dma_wait3A_83 : memref<32xi32, #tpu.memory_space<hbm>>) dst(%dma_wait3A_81 : memref<32xi32, #tpu.memory_space<vmem>>)
    %dma_start3A_84 = arith.constant 1 : i32
    %dma_start3A_85 = arith.constant 0 : i32
    %dma_start3A_86 = tpu.memref_slice %arg6[%dma_start3A_84, %dma_start3A_85] : memref<4x32xi32, #tpu.memory_space<vmem>> -> memref<1x32xi32, #tpu.memory_space<vmem>>
    %dma_start3A_87 = tpu.memref_squeeze %dma_start3A_86 : memref<1x32xi32, #tpu.memory_space<vmem>> -> memref<32xi32, #tpu.memory_space<vmem>>
    %dma_start3A_88 = arith.constant 0 : i32
    %dma_start3A_89 = arith.constant 0 : i32
    %dma_start3A_90 = tpu.memref_slice %arg3[%dma_start3A_88, %dma_start3A_89] : memref<50257x768xf32, #tpu.memory_space<hbm>> -> memref<50257x768xf32, #tpu.memory_space<hbm>>
    tpu.enqueue_indirect_dma source(%dma_start3A_90 : memref<50257x768xf32, #tpu.memory_space<hbm>>) target(%arg9 : memref<32x768xf32, #tpu.memory_space<vmem>>) offsets(%dma_start3A_87 : memref<32xi32, #tpu.memory_space<vmem>>) semaphore(%arg13 : memref<!tpu.dma_semaphore, #tpu.memory_space<semaphore_mem>>)
    %dma_wait3A_91 = arith.constant 0 : i32
    %dma_wait3A_92 = arith.constant 0 : i32
    %dma_wait3A_93 = tpu.memref_slice %arg6[%dma_wait3A_91, %dma_wait3A_92] : memref<4x32xi32, #tpu.memory_space<vmem>> -> memref<1x32xi32, #tpu.memory_space<vmem>>
    %dma_wait3A_94 = tpu.memref_squeeze %dma_wait3A_93 : memref<1x32xi32, #tpu.memory_space<vmem>> -> memref<32xi32, #tpu.memory_space<vmem>>
    %dma_wait3A_95 = arith.constant 0 : i32
    %dma_wait3A_96 = arith.constant 0 : i32
    %dma_wait3A_97 = tpu.memref_slice %arg3[%dma_wait3A_95, %dma_wait3A_96] : memref<50257x768xf32, #tpu.memory_space<hbm>> -> memref<50257x768xf32, #tpu.memory_space<hbm>>
    tpu.wait_indirect_dma semaphore(%arg12 : memref<!tpu.dma_semaphore, #tpu.memory_space<semaphore_mem>>) src(%dma_wait3A_97 : memref<50257x768xf32, #tpu.memory_space<hbm>>) dst(%arg8 : memref<32x768xf32, #tpu.memory_space<vmem>>)
    %dma_wait3A_98 = arith.constant 0 : i32
    %dma_wait3A_99 = tpu.memref_slice %arg4[%mul3A_2, %dma_wait3A_98] : memref<1024x768xf32, #tpu.memory_space<hbm>> -> memref<32x768xf32, #tpu.memory_space<hbm>>
    %dma_wait3A_100 = arith.constant 0 : i32
    %dma_wait3A_101 = tpu.memref_slice %arg4[%mul3A_2, %dma_wait3A_100] : memref<1024x768xf32, #tpu.memory_space<hbm>> -> memref<32x768xf32, #tpu.memory_space<hbm>>
    tpu.wait_dma2 semaphore(%arg24 : memref<!tpu.dma_semaphore, #tpu.memory_space<semaphore_mem>>) src(%dma_wait3A_101 : memref<32x768xf32, #tpu.memory_space<hbm>>) dst(%arg7 : memref<32x768xf32, #tpu.memory_space<vmem>>)
    %scan3A = arith.constant 0 : i32
    %scan3A_102 = arith.constant 0 : i32
    %scan3A_103 = arith.constant 192 : i32
    %scan3A_104 = arith.addi %scan3A_102, %scan3A_103 : i32
    %scan3A_105 = arith.constant 1 : i32
    scf.for %scan3A_240 = %scan3A_102 to %scan3A_104 step %scan3A_105  : i32 {
      %jit3A = arith.constant 6 : i32
      %div3A = arith.divsi %scan3A_240, %jit3A : i32
      %sign3A = arith.constant 0 : i32
      %sign3A_241 = arith.cmpi sgt, %scan3A_240, %sign3A : i32
      %sign3A_242 = arith.extui %sign3A_241 : i1 to i32
      %sign3A_243 = arith.constant 0 : i32
      %sign3A_244 = arith.cmpi slt, %scan3A_240, %sign3A_243 : i32
      %sign3A_245 = arith.extui %sign3A_244 : i1 to i32
      %sign3A_246 = arith.subi %sign3A_242, %sign3A_245 : i32
      %sign3A_247 = arith.constant 0 : i32
      %sign3A_248 = arith.cmpi sgt, %jit3A, %sign3A_247 : i32
      %sign3A_249 = arith.extui %sign3A_248 : i1 to i32
      %sign3A_250 = arith.constant 0 : i32
      %sign3A_251 = arith.cmpi slt, %jit3A, %sign3A_250 : i32
      %sign3A_252 = arith.extui %sign3A_251 : i1 to i32
      %sign3A_253 = arith.subi %sign3A_249, %sign3A_252 : i32
      %ne3A = arith.cmpi ne, %sign3A_246, %sign3A_253 : i32
      %rem3A = arith.remsi %scan3A_240, %jit3A : i32
      %ne3A_254 = arith.constant 0 : i32
      %ne3A_255 = arith.cmpi ne, %rem3A, %ne3A_254 : i32
      %and3A = arith.andi %ne3A, %ne3A_255 : i1
      %sub3A = arith.constant 1 : i32
      %sub3A_256 = arith.subi %div3A, %sub3A : i32
      %select_n3A = arith.select %and3A, %sub3A_256, %div3A : i32
      %jit3A_257 = arith.constant 6 : i32
      %eq3A = arith.constant 0 : i32
      %eq3A_258 = arith.cmpi eq, %jit3A_257, %eq3A : i32
      %jit3A_259 = arith.constant 1 : i32
      %select_n3A_260 = arith.select %eq3A_258, %jit3A_259, %jit3A_257 : i32
      %rem3A_261 = arith.remsi %scan3A_240, %select_n3A_260 : i32
      %ne3A_262 = arith.constant 0 : i32
      %ne3A_263 = arith.cmpi ne, %rem3A_261, %ne3A_262 : i32
      %lt3A = arith.constant 0 : i32
      %lt3A_264 = arith.cmpi slt, %rem3A_261, %lt3A : i32
      %lt3A_265 = arith.constant 0 : i32
      %lt3A_266 = arith.cmpi slt, %select_n3A_260, %lt3A_265 : i32
      %ne3A_267 = arith.xori %lt3A_264, %lt3A_266 : i1
      %and3A_268 = arith.andi %ne3A_267, %ne3A_263 : i1
      %add3A_269 = arith.addi %rem3A_261, %select_n3A_260 : i32
      %select_n3A_270 = arith.select %and3A_268, %add3A_269, %rem3A_261 : i32
      %mul3A_271 = arith.constant 8 : i32
      %mul3A_272 = arith.muli %select_n3A_270, %mul3A_271 : i32
      %mul3A_273 = arith.constant 16 : i32
      %mul3A_274 = arith.muli %mul3A_272, %mul3A_273 : i32
      %add3A_275 = arith.constant 0 : i32
      %add3A_276 = arith.addi %mul3A_274, %add3A_275 : i32
      %get3A = arith.index_cast %select_n3A : i32 to index
      %get3A_277 = arith.index_cast %add3A_276 : i32 to index
      %get3A_278 = tpu.vector_load %arg7[%get3A, %get3A_277] {strides = array<i32>} : memref<32x768xf32, #tpu.memory_space<vmem>>, vector<1x16xf32>,
      %get3A_279 = vector.shape_cast %get3A_278 : vector<1x16xf32> to vector<16xf32>
      %mul3A_280 = arith.constant 16 : i32
      %mul3A_281 = arith.muli %mul3A_272, %mul3A_280 : i32
      %add3A_282 = arith.constant 0 : i32
      %add3A_283 = arith.addi %mul3A_281, %add3A_282 : i32
      %swap3A = arith.index_cast %select_n3A : i32 to index
      %swap3A_284 = arith.index_cast %add3A_283 : i32 to index
      %swap3A_285 = tpu.vector_load %arg8[%swap3A, %swap3A_284] {strides = array<i32>} : memref<32x768xf32, #tpu.memory_space<vmem>>, vector<1x16xf32>,
      %swap3A_286 = vector.shape_cast %swap3A_285 : vector<1x16xf32> to vector<16xf32>
      %swap3A_287 = vector.shape_cast %get3A_279 : vector<16xf32> to vector<1x16xf32>
      tpu.vector_store %arg8[%swap3A, %swap3A_284], %swap3A_287 {add = true, strides = array<i32>} : memref<32x768xf32, #tpu.memory_space<vmem>>, vector<1x16xf32>,
      %mul3A_288 = arith.constant 16 : i32
      %mul3A_289 = arith.muli %mul3A_272, %mul3A_288 : i32
      %add3A_290 = arith.constant 16 : i32
      %add3A_291 = arith.addi %mul3A_289, %add3A_290 : i32
      %get3A_292 = arith.index_cast %select_n3A : i32 to index
      %get3A_293 = arith.index_cast %add3A_291 : i32 to index
      %get3A_294 = tpu.vector_load %arg7[%get3A_292, %get3A_293] {strides = array<i32>} : memref<32x768xf32, #tpu.memory_space<vmem>>, vector<1x16xf32>,
      %get3A_295 = vector.shape_cast %get3A_294 : vector<1x16xf32> to vector<16xf32>
      %mul3A_296 = arith.constant 16 : i32
      %mul3A_297 = arith.muli %mul3A_272, %mul3A_296 : i32
      %add3A_298 = arith.constant 16 : i32
      %add3A_299 = arith.addi %mul3A_297, %add3A_298 : i32
      %swap3A_300 = arith.index_cast %select_n3A : i32 to index
      %swap3A_301 = arith.index_cast %add3A_299 : i32 to index
      %swap3A_302 = tpu.vector_load %arg8[%swap3A_300, %swap3A_301] {strides = array<i32>} : memref<32x768xf32, #tpu.memory_space<vmem>>, vector<1x16xf32>,
      %swap3A_303 = vector.shape_cast %swap3A_302 : vector<1x16xf32> to vector<16xf32>
      %swap3A_304 = vector.shape_cast %get3A_295 : vector<16xf32> to vector<1x16xf32>
      tpu.vector_store %arg8[%swap3A_300, %swap3A_301], %swap3A_304 {add = true, strides = array<i32>} : memref<32x768xf32, #tpu.memory_space<vmem>>, vector<1x16xf32>,
      %mul3A_305 = arith.constant 16 : i32
      %mul3A_306 = arith.muli %mul3A_272, %mul3A_305 : i32
      %add3A_307 = arith.constant 32 : i32
      %add3A_308 = arith.addi %mul3A_306, %add3A_307 : i32
      %get3A_309 = arith.index_cast %select_n3A : i32 to index
      %get3A_310 = arith.index_cast %add3A_308 : i32 to index
      %get3A_311 = tpu.vector_load %arg7[%get3A_309, %get3A_310] {strides = array<i32>} : memref<32x768xf32, #tpu.memory_space<vmem>>, vector<1x16xf32>,
      %get3A_312 = vector.shape_cast %get3A_311 : vector<1x16xf32> to vector<16xf32>
      %mul3A_313 = arith.constant 16 : i32
      %mul3A_314 = arith.muli %mul3A_272, %mul3A_313 : i32
      %add3A_315 = arith.constant 32 : i32
      %add3A_316 = arith.addi %mul3A_314, %add3A_315 : i32
      %swap3A_317 = arith.index_cast %select_n3A : i32 to index
      %swap3A_318 = arith.index_cast %add3A_316 : i32 to index
      %swap3A_319 = tpu.vector_load %arg8[%swap3A_317, %swap3A_318] {strides = array<i32>} : memref<32x768xf32, #tpu.memory_space<vmem>>, vector<1x16xf32>,
      %swap3A_320 = vector.shape_cast %swap3A_319 : vector<1x16xf32> to vector<16xf32>
      %swap3A_321 = vector.shape_cast %get3A_312 : vector<16xf32> to vector<1x16xf32>
      tpu.vector_store %arg8[%swap3A_317, %swap3A_318], %swap3A_321 {add = true, strides = array<i32>} : memref<32x768xf32, #tpu.memory_space<vmem>>, vector<1x16xf32>,
      %mul3A_322 = arith.constant 16 : i32
      %mul3A_323 = arith.muli %mul3A_272, %mul3A_322 : i32
      %add3A_324 = arith.constant 48 : i32
      %add3A_325 = arith.addi %mul3A_323, %add3A_324 : i32
      %get3A_326 = arith.index_cast %select_n3A : i32 to index
      %get3A_327 = arith.index_cast %add3A_325 : i32 to index
      %get3A_328 = tpu.vector_load %arg7[%get3A_326, %get3A_327] {strides = array<i32>} : memref<32x768xf32, #tpu.memory_space<vmem>>, vector<1x16xf32>,
      %get3A_329 = vector.shape_cast %get3A_328 : vector<1x16xf32> to vector<16xf32>
      %mul3A_330 = arith.constant 16 : i32
      %mul3A_331 = arith.muli %mul3A_272, %mul3A_330 : i32
      %add3A_332 = arith.constant 48 : i32
      %add3A_333 = arith.addi %mul3A_331, %add3A_332 : i32
      %swap3A_334 = arith.index_cast %select_n3A : i32 to index
      %swap3A_335 = arith.index_cast %add3A_333 : i32 to index
      %swap3A_336 = tpu.vector_load %arg8[%swap3A_334, %swap3A_335] {strides = array<i32>} : memref<32x768xf32, #tpu.memory_space<vmem>>, vector<1x16xf32>,
      %swap3A_337 = vector.shape_cast %swap3A_336 : vector<1x16xf32> to vector<16xf32>
      %swap3A_338 = vector.shape_cast %get3A_329 : vector<16xf32> to vector<1x16xf32>
      tpu.vector_store %arg8[%swap3A_334, %swap3A_335], %swap3A_338 {add = true, strides = array<i32>} : memref<32x768xf32, #tpu.memory_space<vmem>>, vector<1x16xf32>,
      %mul3A_339 = arith.constant 16 : i32
      %mul3A_340 = arith.muli %mul3A_272, %mul3A_339 : i32
      %add3A_341 = arith.constant 64 : i32
      %add3A_342 = arith.addi %mul3A_340, %add3A_341 : i32
      %get3A_343 = arith.index_cast %select_n3A : i32 to index
      %get3A_344 = arith.index_cast %add3A_342 : i32 to index
      %get3A_345 = tpu.vector_load %arg7[%get3A_343, %get3A_344] {strides = array<i32>} : memref<32x768xf32, #tpu.memory_space<vmem>>, vector<1x16xf32>,
      %get3A_346 = vector.shape_cast %get3A_345 : vector<1x16xf32> to vector<16xf32>
      %mul3A_347 = arith.constant 16 : i32
      %mul3A_348 = arith.muli %mul3A_272, %mul3A_347 : i32
      %add3A_349 = arith.constant 64 : i32
      %add3A_350 = arith.addi %mul3A_348, %add3A_349 : i32
      %swap3A_351 = arith.index_cast %select_n3A : i32 to index
      %swap3A_352 = arith.index_cast %add3A_350 : i32 to index
      %swap3A_353 = tpu.vector_load %arg8[%swap3A_351, %swap3A_352] {strides = array<i32>} : memref<32x768xf32, #tpu.memory_space<vmem>>, vector<1x16xf32>,
      %swap3A_354 = vector.shape_cast %swap3A_353 : vector<1x16xf32> to vector<16xf32>
      %swap3A_355 = vector.shape_cast %get3A_346 : vector<16xf32> to vector<1x16xf32>
      tpu.vector_store %arg8[%swap3A_351, %swap3A_352], %swap3A_355 {add = true, strides = array<i32>} : memref<32x768xf32, #tpu.memory_space<vmem>>, vector<1x16xf32>,
      %mul3A_356 = arith.constant 16 : i32
      %mul3A_357 = arith.muli %mul3A_272, %mul3A_356 : i32
      %add3A_358 = arith.constant 80 : i32
      %add3A_359 = arith.addi %mul3A_357, %add3A_358 : i32
      %get3A_360 = arith.index_cast %select_n3A : i32 to index
      %get3A_361 = arith.index_cast %add3A_359 : i32 to index
      %get3A_362 = tpu.vector_load %arg7[%get3A_360, %get3A_361] {strides = array<i32>} : memref<32x768xf32, #tpu.memory_space<vmem>>, vector<1x16xf32>,
      %get3A_363 = vector.shape_cast %get3A_362 : vector<1x16xf32> to vector<16xf32>
      %mul3A_364 = arith.constant 16 : i32
      %mul3A_365 = arith.muli %mul3A_272, %mul3A_364 : i32
      %add3A_366 = arith.constant 80 : i32
      %add3A_367 = arith.addi %mul3A_365, %add3A_366 : i32
      %swap3A_368 = arith.index_cast %select_n3A : i32 to index
      %swap3A_369 = arith.index_cast %add3A_367 : i32 to index
      %swap3A_370 = tpu.vector_load %arg8[%swap3A_368, %swap3A_369] {strides = array<i32>} : memref<32x768xf32, #tpu.memory_space<vmem>>, vector<1x16xf32>,
      %swap3A_371 = vector.shape_cast %swap3A_370 : vector<1x16xf32> to vector<16xf32>
      %swap3A_372 = vector.shape_cast %get3A_363 : vector<16xf32> to vector<1x16xf32>
      tpu.vector_store %arg8[%swap3A_368, %swap3A_369], %swap3A_372 {add = true, strides = array<i32>} : memref<32x768xf32, #tpu.memory_space<vmem>>, vector<1x16xf32>,
      %mul3A_373 = arith.constant 16 : i32
      %mul3A_374 = arith.muli %mul3A_272, %mul3A_373 : i32
      %add3A_375 = arith.constant 96 : i32
      %add3A_376 = arith.addi %mul3A_374, %add3A_375 : i32
      %get3A_377 = arith.index_cast %select_n3A : i32 to index
      %get3A_378 = arith.index_cast %add3A_376 : i32 to index
      %get3A_379 = tpu.vector_load %arg7[%get3A_377, %get3A_378] {strides = array<i32>} : memref<32x768xf32, #tpu.memory_space<vmem>>, vector<1x16xf32>,
      %get3A_380 = vector.shape_cast %get3A_379 : vector<1x16xf32> to vector<16xf32>
      %mul3A_381 = arith.constant 16 : i32
      %mul3A_382 = arith.muli %mul3A_272, %mul3A_381 : i32
      %add3A_383 = arith.constant 96 : i32
      %add3A_384 = arith.addi %mul3A_382, %add3A_383 : i32
      %swap3A_385 = arith.index_cast %select_n3A : i32 to index
      %swap3A_386 = arith.index_cast %add3A_384 : i32 to index
      %swap3A_387 = tpu.vector_load %arg8[%swap3A_385, %swap3A_386] {strides = array<i32>} : memref<32x768xf32, #tpu.memory_space<vmem>>, vector<1x16xf32>,
      %swap3A_388 = vector.shape_cast %swap3A_387 : vector<1x16xf32> to vector<16xf32>
      %swap3A_389 = vector.shape_cast %get3A_380 : vector<16xf32> to vector<1x16xf32>
      tpu.vector_store %arg8[%swap3A_385, %swap3A_386], %swap3A_389 {add = true, strides = array<i32>} : memref<32x768xf32, #tpu.memory_space<vmem>>, vector<1x16xf32>,
      %mul3A_390 = arith.constant 16 : i32
      %mul3A_391 = arith.muli %mul3A_272, %mul3A_390 : i32
      %add3A_392 = arith.constant 112 : i32
      %add3A_393 = arith.addi %mul3A_391, %add3A_392 : i32
      %get3A_394 = arith.index_cast %select_n3A : i32 to index
      %get3A_395 = arith.index_cast %add3A_393 : i32 to index
      %get3A_396 = tpu.vector_load %arg7[%get3A_394, %get3A_395] {strides = array<i32>} : memref<32x768xf32, #tpu.memory_space<vmem>>, vector<1x16xf32>,
      %get3A_397 = vector.shape_cast %get3A_396 : vector<1x16xf32> to vector<16xf32>
      %mul3A_398 = arith.constant 16 : i32
      %mul3A_399 = arith.muli %mul3A_272, %mul3A_398 : i32
      %add3A_400 = arith.constant 112 : i32
      %add3A_401 = arith.addi %mul3A_399, %add3A_400 : i32
      %swap3A_402 = arith.index_cast %select_n3A : i32 to index
      %swap3A_403 = arith.index_cast %add3A_401 : i32 to index
      %swap3A_404 = tpu.vector_load %arg8[%swap3A_402, %swap3A_403] {strides = array<i32>} : memref<32x768xf32, #tpu.memory_space<vmem>>, vector<1x16xf32>,
      %swap3A_405 = vector.shape_cast %swap3A_404 : vector<1x16xf32> to vector<16xf32>
      %swap3A_406 = vector.shape_cast %get3A_397 : vector<16xf32> to vector<1x16xf32>
      tpu.vector_store %arg8[%swap3A_402, %swap3A_403], %swap3A_406 {add = true, strides = array<i32>} : memref<32x768xf32, #tpu.memory_space<vmem>>, vector<1x16xf32>,
    }
    %scan3A_106 = arith.constant 192 : i32
    %dma_start3A_107 = arith.constant 0 : i32
    %dma_start3A_108 = arith.constant 0 : i32
    %dma_start3A_109 = tpu.memref_slice %arg5[%dma_start3A_107, %mul3A_2, %dma_start3A_108] : memref<4x1024x768xf32, #tpu.memory_space<hbm>> -> memref<1x32x768xf32, #tpu.memory_space<hbm>>
    %dma_start3A_110 = tpu.memref_squeeze %dma_start3A_109 : memref<1x32x768xf32, #tpu.memory_space<hbm>> -> memref<32x768xf32, #tpu.memory_space<hbm>>
    %dma_start3A_111 = arith.constant 0 : i32
    %dma_start3A_112 = tpu.memref_slice %arg5[%dma_start3A_107, %mul3A_2, %dma_start3A_111] : memref<4x1024x768xf32, #tpu.memory_space<hbm>> -> memref<1x32x768xf32, #tpu.memory_space<hbm>>
    %dma_start3A_113 = tpu.memref_squeeze %dma_start3A_112 : memref<1x32x768xf32, #tpu.memory_space<hbm>> -> memref<32x768xf32, #tpu.memory_space<hbm>>
    tpu.enqueue_dma source(%arg8 : memref<32x768xf32, #tpu.memory_space<vmem>>) target(%dma_start3A_113 : memref<32x768xf32, #tpu.memory_space<hbm>>) target_semaphore(%arg16 : memref<!tpu.dma_semaphore, #tpu.memory_space<semaphore_mem>>)
    %dma_wait3A_114 = arith.constant 2 : i32
    %dma_wait3A_115 = arith.constant 2 : i32
    %dma_wait3A_116 = arith.constant 0 : i32
    %dma_wait3A_117 = tpu.memref_slice %arg6[%dma_wait3A_115, %dma_wait3A_116] : memref<4x32xi32, #tpu.memory_space<vmem>> -> memref<1x32xi32, #tpu.memory_space<vmem>>
    %dma_wait3A_118 = tpu.memref_squeeze %dma_wait3A_117 : memref<1x32xi32, #tpu.memory_space<vmem>> -> memref<32xi32, #tpu.memory_space<vmem>>
    %dma_wait3A_119 = tpu.memref_slice %arg2[%dma_wait3A_114, %mul3A_2] : memref<4x1024xi32, #tpu.memory_space<hbm>> -> memref<1x32xi32, #tpu.memory_space<hbm>>
    %dma_wait3A_120 = tpu.memref_squeeze %dma_wait3A_119 : memref<1x32xi32, #tpu.memory_space<hbm>> -> memref<32xi32, #tpu.memory_space<hbm>>
    %dma_wait3A_121 = arith.constant 0 : i32
    %dma_wait3A_122 = tpu.memref_slice %arg6[%dma_wait3A_115, %dma_wait3A_121] : memref<4x32xi32, #tpu.memory_space<vmem>> -> memref<1x32xi32, #tpu.memory_space<vmem>>
    %dma_wait3A_123 = tpu.memref_squeeze %dma_wait3A_122 : memref<1x32xi32, #tpu.memory_space<vmem>> -> memref<32xi32, #tpu.memory_space<vmem>>
    %dma_wait3A_124 = tpu.memref_slice %arg2[%dma_wait3A_114, %mul3A_2] : memref<4x1024xi32, #tpu.memory_space<hbm>> -> memref<1x32xi32, #tpu.memory_space<hbm>>
    %dma_wait3A_125 = tpu.memref_squeeze %dma_wait3A_124 : memref<1x32xi32, #tpu.memory_space<hbm>> -> memref<32xi32, #tpu.memory_space<hbm>>
    tpu.wait_dma2 semaphore(%arg22 : memref<!tpu.dma_semaphore, #tpu.memory_space<semaphore_mem>>) src(%dma_wait3A_125 : memref<32xi32, #tpu.memory_space<hbm>>) dst(%dma_wait3A_123 : memref<32xi32, #tpu.memory_space<vmem>>)
    %dma_start3A_126 = arith.constant 2 : i32
    %dma_start3A_127 = arith.constant 0 : i32
    %dma_start3A_128 = tpu.memref_slice %arg6[%dma_start3A_126, %dma_start3A_127] : memref<4x32xi32, #tpu.memory_space<vmem>> -> memref<1x32xi32, #tpu.memory_space<vmem>>
    %dma_start3A_129 = tpu.memref_squeeze %dma_start3A_128 : memref<1x32xi32, #tpu.memory_space<vmem>> -> memref<32xi32, #tpu.memory_space<vmem>>
    %dma_start3A_130 = arith.constant 0 : i32
    %dma_start3A_131 = arith.constant 0 : i32
    %dma_start3A_132 = tpu.memref_slice %arg3[%dma_start3A_130, %dma_start3A_131] : memref<50257x768xf32, #tpu.memory_space<hbm>> -> memref<50257x768xf32, #tpu.memory_space<hbm>>
    tpu.enqueue_indirect_dma source(%dma_start3A_132 : memref<50257x768xf32, #tpu.memory_space<hbm>>) target(%arg10 : memref<32x768xf32, #tpu.memory_space<vmem>>) offsets(%dma_start3A_129 : memref<32xi32, #tpu.memory_space<vmem>>) semaphore(%arg14 : memref<!tpu.dma_semaphore, #tpu.memory_space<semaphore_mem>>)
    %dma_wait3A_133 = arith.constant 1 : i32
    %dma_wait3A_134 = arith.constant 0 : i32
    %dma_wait3A_135 = tpu.memref_slice %arg6[%dma_wait3A_133, %dma_wait3A_134] : memref<4x32xi32, #tpu.memory_space<vmem>> -> memref<1x32xi32, #tpu.memory_space<vmem>>
    %dma_wait3A_136 = tpu.memref_squeeze %dma_wait3A_135 : memref<1x32xi32, #tpu.memory_space<vmem>> -> memref<32xi32, #tpu.memory_space<vmem>>
    %dma_wait3A_137 = arith.constant 0 : i32
    %dma_wait3A_138 = arith.constant 0 : i32
    %dma_wait3A_139 = tpu.memref_slice %arg3[%dma_wait3A_137, %dma_wait3A_138] : memref<50257x768xf32, #tpu.memory_space<hbm>> -> memref<50257x768xf32, #tpu.memory_space<hbm>>
    tpu.wait_indirect_dma semaphore(%arg13 : memref<!tpu.dma_semaphore, #tpu.memory_space<semaphore_mem>>) src(%dma_wait3A_139 : memref<50257x768xf32, #tpu.memory_space<hbm>>) dst(%arg9 : memref<32x768xf32, #tpu.memory_space<vmem>>)
    %scan3A_140 = arith.constant 0 : i32
    %scan3A_141 = arith.constant 0 : i32
    %scan3A_142 = arith.constant 192 : i32
    %scan3A_143 = arith.addi %scan3A_141, %scan3A_142 : i32
    %scan3A_144 = arith.constant 1 : i32
    scf.for %scan3A_240 = %scan3A_141 to %scan3A_143 step %scan3A_144  : i32 {
      %jit3A = arith.constant 6 : i32
      %div3A = arith.divsi %scan3A_240, %jit3A : i32
      %sign3A = arith.constant 0 : i32
      %sign3A_241 = arith.cmpi sgt, %scan3A_240, %sign3A : i32
      %sign3A_242 = arith.extui %sign3A_241 : i1 to i32
      %sign3A_243 = arith.constant 0 : i32
      %sign3A_244 = arith.cmpi slt, %scan3A_240, %sign3A_243 : i32
      %sign3A_245 = arith.extui %sign3A_244 : i1 to i32
      %sign3A_246 = arith.subi %sign3A_242, %sign3A_245 : i32
      %sign3A_247 = arith.constant 0 : i32
      %sign3A_248 = arith.cmpi sgt, %jit3A, %sign3A_247 : i32
      %sign3A_249 = arith.extui %sign3A_248 : i1 to i32
      %sign3A_250 = arith.constant 0 : i32
      %sign3A_251 = arith.cmpi slt, %jit3A, %sign3A_250 : i32
      %sign3A_252 = arith.extui %sign3A_251 : i1 to i32
      %sign3A_253 = arith.subi %sign3A_249, %sign3A_252 : i32
      %ne3A = arith.cmpi ne, %sign3A_246, %sign3A_253 : i32
      %rem3A = arith.remsi %scan3A_240, %jit3A : i32
      %ne3A_254 = arith.constant 0 : i32
      %ne3A_255 = arith.cmpi ne, %rem3A, %ne3A_254 : i32
      %and3A = arith.andi %ne3A, %ne3A_255 : i1
      %sub3A = arith.constant 1 : i32
      %sub3A_256 = arith.subi %div3A, %sub3A : i32
      %select_n3A = arith.select %and3A, %sub3A_256, %div3A : i32
      %jit3A_257 = arith.constant 6 : i32
      %eq3A = arith.constant 0 : i32
      %eq3A_258 = arith.cmpi eq, %jit3A_257, %eq3A : i32
      %jit3A_259 = arith.constant 1 : i32
      %select_n3A_260 = arith.select %eq3A_258, %jit3A_259, %jit3A_257 : i32
      %rem3A_261 = arith.remsi %scan3A_240, %select_n3A_260 : i32
      %ne3A_262 = arith.constant 0 : i32
      %ne3A_263 = arith.cmpi ne, %rem3A_261, %ne3A_262 : i32
      %lt3A = arith.constant 0 : i32
      %lt3A_264 = arith.cmpi slt, %rem3A_261, %lt3A : i32
      %lt3A_265 = arith.constant 0 : i32
      %lt3A_266 = arith.cmpi slt, %select_n3A_260, %lt3A_265 : i32
      %ne3A_267 = arith.xori %lt3A_264, %lt3A_266 : i1
      %and3A_268 = arith.andi %ne3A_267, %ne3A_263 : i1
      %add3A_269 = arith.addi %rem3A_261, %select_n3A_260 : i32
      %select_n3A_270 = arith.select %and3A_268, %add3A_269, %rem3A_261 : i32
      %mul3A_271 = arith.constant 8 : i32
      %mul3A_272 = arith.muli %select_n3A_270, %mul3A_271 : i32
      %mul3A_273 = arith.constant 16 : i32
      %mul3A_274 = arith.muli %mul3A_272, %mul3A_273 : i32
      %add3A_275 = arith.constant 0 : i32
      %add3A_276 = arith.addi %mul3A_274, %add3A_275 : i32
      %get3A = arith.index_cast %select_n3A : i32 to index
      %get3A_277 = arith.index_cast %add3A_276 : i32 to index
      %get3A_278 = tpu.vector_load %arg7[%get3A, %get3A_277] {strides = array<i32>} : memref<32x768xf32, #tpu.memory_space<vmem>>, vector<1x16xf32>,
      %get3A_279 = vector.shape_cast %get3A_278 : vector<1x16xf32> to vector<16xf32>
      %mul3A_280 = arith.constant 16 : i32
      %mul3A_281 = arith.muli %mul3A_272, %mul3A_280 : i32
      %add3A_282 = arith.constant 0 : i32
      %add3A_283 = arith.addi %mul3A_281, %add3A_282 : i32
      %swap3A = arith.index_cast %select_n3A : i32 to index
      %swap3A_284 = arith.index_cast %add3A_283 : i32 to index
      %swap3A_285 = tpu.vector_load %arg9[%swap3A, %swap3A_284] {strides = array<i32>} : memref<32x768xf32, #tpu.memory_space<vmem>>, vector<1x16xf32>,
      %swap3A_286 = vector.shape_cast %swap3A_285 : vector<1x16xf32> to vector<16xf32>
      %swap3A_287 = vector.shape_cast %get3A_279 : vector<16xf32> to vector<1x16xf32>
      tpu.vector_store %arg9[%swap3A, %swap3A_284], %swap3A_287 {add = true, strides = array<i32>} : memref<32x768xf32, #tpu.memory_space<vmem>>, vector<1x16xf32>,
      %mul3A_288 = arith.constant 16 : i32
      %mul3A_289 = arith.muli %mul3A_272, %mul3A_288 : i32
      %add3A_290 = arith.constant 16 : i32
      %add3A_291 = arith.addi %mul3A_289, %add3A_290 : i32
      %get3A_292 = arith.index_cast %select_n3A : i32 to index
      %get3A_293 = arith.index_cast %add3A_291 : i32 to index
      %get3A_294 = tpu.vector_load %arg7[%get3A_292, %get3A_293] {strides = array<i32>} : memref<32x768xf32, #tpu.memory_space<vmem>>, vector<1x16xf32>,
      %get3A_295 = vector.shape_cast %get3A_294 : vector<1x16xf32> to vector<16xf32>
      %mul3A_296 = arith.constant 16 : i32
      %mul3A_297 = arith.muli %mul3A_272, %mul3A_296 : i32
      %add3A_298 = arith.constant 16 : i32
      %add3A_299 = arith.addi %mul3A_297, %add3A_298 : i32
      %swap3A_300 = arith.index_cast %select_n3A : i32 to index
      %swap3A_301 = arith.index_cast %add3A_299 : i32 to index
      %swap3A_302 = tpu.vector_load %arg9[%swap3A_300, %swap3A_301] {strides = array<i32>} : memref<32x768xf32, #tpu.memory_space<vmem>>, vector<1x16xf32>,
      %swap3A_303 = vector.shape_cast %swap3A_302 : vector<1x16xf32> to vector<16xf32>
      %swap3A_304 = vector.shape_cast %get3A_295 : vector<16xf32> to vector<1x16xf32>
      tpu.vector_store %arg9[%swap3A_300, %swap3A_301], %swap3A_304 {add = true, strides = array<i32>} : memref<32x768xf32, #tpu.memory_space<vmem>>, vector<1x16xf32>,
      %mul3A_305 = arith.constant 16 : i32
      %mul3A_306 = arith.muli %mul3A_272, %mul3A_305 : i32
      %add3A_307 = arith.constant 32 : i32
      %add3A_308 = arith.addi %mul3A_306, %add3A_307 : i32
      %get3A_309 = arith.index_cast %select_n3A : i32 to index
      %get3A_310 = arith.index_cast %add3A_308 : i32 to index
      %get3A_311 = tpu.vector_load %arg7[%get3A_309, %get3A_310] {strides = array<i32>} : memref<32x768xf32, #tpu.memory_space<vmem>>, vector<1x16xf32>,
      %get3A_312 = vector.shape_cast %get3A_311 : vector<1x16xf32> to vector<16xf32>
      %mul3A_313 = arith.constant 16 : i32
      %mul3A_314 = arith.muli %mul3A_272, %mul3A_313 : i32
      %add3A_315 = arith.constant 32 : i32
      %add3A_316 = arith.addi %mul3A_314, %add3A_315 : i32
      %swap3A_317 = arith.index_cast %select_n3A : i32 to index
      %swap3A_318 = arith.index_cast %add3A_316 : i32 to index
      %swap3A_319 = tpu.vector_load %arg9[%swap3A_317, %swap3A_318] {strides = array<i32>} : memref<32x768xf32, #tpu.memory_space<vmem>>, vector<1x16xf32>,
      %swap3A_320 = vector.shape_cast %swap3A_319 : vector<1x16xf32> to vector<16xf32>
      %swap3A_321 = vector.shape_cast %get3A_312 : vector<16xf32> to vector<1x16xf32>
      tpu.vector_store %arg9[%swap3A_317, %swap3A_318], %swap3A_321 {add = true, strides = array<i32>} : memref<32x768xf32, #tpu.memory_space<vmem>>, vector<1x16xf32>,
      %mul3A_322 = arith.constant 16 : i32
      %mul3A_323 = arith.muli %mul3A_272, %mul3A_322 : i32
      %add3A_324 = arith.constant 48 : i32
      %add3A_325 = arith.addi %mul3A_323, %add3A_324 : i32
      %get3A_326 = arith.index_cast %select_n3A : i32 to index
      %get3A_327 = arith.index_cast %add3A_325 : i32 to index
      %get3A_328 = tpu.vector_load %arg7[%get3A_326, %get3A_327] {strides = array<i32>} : memref<32x768xf32, #tpu.memory_space<vmem>>, vector<1x16xf32>,
      %get3A_329 = vector.shape_cast %get3A_328 : vector<1x16xf32> to vector<16xf32>
      %mul3A_330 = arith.constant 16 : i32
      %mul3A_331 = arith.muli %mul3A_272, %mul3A_330 : i32
      %add3A_332 = arith.constant 48 : i32
      %add3A_333 = arith.addi %mul3A_331, %add3A_332 : i32
      %swap3A_334 = arith.index_cast %select_n3A : i32 to index
      %swap3A_335 = arith.index_cast %add3A_333 : i32 to index
      %swap3A_336 = tpu.vector_load %arg9[%swap3A_334, %swap3A_335] {strides = array<i32>} : memref<32x768xf32, #tpu.memory_space<vmem>>, vector<1x16xf32>,
      %swap3A_337 = vector.shape_cast %swap3A_336 : vector<1x16xf32> to vector<16xf32>
      %swap3A_338 = vector.shape_cast %get3A_329 : vector<16xf32> to vector<1x16xf32>
      tpu.vector_store %arg9[%swap3A_334, %swap3A_335], %swap3A_338 {add = true, strides = array<i32>} : memref<32x768xf32, #tpu.memory_space<vmem>>, vector<1x16xf32>,
      %mul3A_339 = arith.constant 16 : i32
      %mul3A_340 = arith.muli %mul3A_272, %mul3A_339 : i32
      %add3A_341 = arith.constant 64 : i32
      %add3A_342 = arith.addi %mul3A_340, %add3A_341 : i32
      %get3A_343 = arith.index_cast %select_n3A : i32 to index
      %get3A_344 = arith.index_cast %add3A_342 : i32 to index
      %get3A_345 = tpu.vector_load %arg7[%get3A_343, %get3A_344] {strides = array<i32>} : memref<32x768xf32, #tpu.memory_space<vmem>>, vector<1x16xf32>,
      %get3A_346 = vector.shape_cast %get3A_345 : vector<1x16xf32> to vector<16xf32>
      %mul3A_347 = arith.constant 16 : i32
      %mul3A_348 = arith.muli %mul3A_272, %mul3A_347 : i32
      %add3A_349 = arith.constant 64 : i32
      %add3A_350 = arith.addi %mul3A_348, %add3A_349 : i32
      %swap3A_351 = arith.index_cast %select_n3A : i32 to index
      %swap3A_352 = arith.index_cast %add3A_350 : i32 to index
      %swap3A_353 = tpu.vector_load %arg9[%swap3A_351, %swap3A_352] {strides = array<i32>} : memref<32x768xf32, #tpu.memory_space<vmem>>, vector<1x16xf32>,
      %swap3A_354 = vector.shape_cast %swap3A_353 : vector<1x16xf32> to vector<16xf32>
      %swap3A_355 = vector.shape_cast %get3A_346 : vector<16xf32> to vector<1x16xf32>
      tpu.vector_store %arg9[%swap3A_351, %swap3A_352], %swap3A_355 {add = true, strides = array<i32>} : memref<32x768xf32, #tpu.memory_space<vmem>>, vector<1x16xf32>,
      %mul3A_356 = arith.constant 16 : i32
      %mul3A_357 = arith.muli %mul3A_272, %mul3A_356 : i32
      %add3A_358 = arith.constant 80 : i32
      %add3A_359 = arith.addi %mul3A_357, %add3A_358 : i32
      %get3A_360 = arith.index_cast %select_n3A : i32 to index
      %get3A_361 = arith.index_cast %add3A_359 : i32 to index
      %get3A_362 = tpu.vector_load %arg7[%get3A_360, %get3A_361] {strides = array<i32>} : memref<32x768xf32, #tpu.memory_space<vmem>>, vector<1x16xf32>,
      %get3A_363 = vector.shape_cast %get3A_362 : vector<1x16xf32> to vector<16xf32>
      %mul3A_364 = arith.constant 16 : i32
      %mul3A_365 = arith.muli %mul3A_272, %mul3A_364 : i32
      %add3A_366 = arith.constant 80 : i32
      %add3A_367 = arith.addi %mul3A_365, %add3A_366 : i32
      %swap3A_368 = arith.index_cast %select_n3A : i32 to index
      %swap3A_369 = arith.index_cast %add3A_367 : i32 to index
      %swap3A_370 = tpu.vector_load %arg9[%swap3A_368, %swap3A_369] {strides = array<i32>} : memref<32x768xf32, #tpu.memory_space<vmem>>, vector<1x16xf32>,
      %swap3A_371 = vector.shape_cast %swap3A_370 : vector<1x16xf32> to vector<16xf32>
      %swap3A_372 = vector.shape_cast %get3A_363 : vector<16xf32> to vector<1x16xf32>
      tpu.vector_store %arg9[%swap3A_368, %swap3A_369], %swap3A_372 {add = true, strides = array<i32>} : memref<32x768xf32, #tpu.memory_space<vmem>>, vector<1x16xf32>,
      %mul3A_373 = arith.constant 16 : i32
      %mul3A_374 = arith.muli %mul3A_272, %mul3A_373 : i32
      %add3A_375 = arith.constant 96 : i32
      %add3A_376 = arith.addi %mul3A_374, %add3A_375 : i32
      %get3A_377 = arith.index_cast %select_n3A : i32 to index
      %get3A_378 = arith.index_cast %add3A_376 : i32 to index
      %get3A_379 = tpu.vector_load %arg7[%get3A_377, %get3A_378] {strides = array<i32>} : memref<32x768xf32, #tpu.memory_space<vmem>>, vector<1x16xf32>,
      %get3A_380 = vector.shape_cast %get3A_379 : vector<1x16xf32> to vector<16xf32>
      %mul3A_381 = arith.constant 16 : i32
      %mul3A_382 = arith.muli %mul3A_272, %mul3A_381 : i32
      %add3A_383 = arith.constant 96 : i32
      %add3A_384 = arith.addi %mul3A_382, %add3A_383 : i32
      %swap3A_385 = arith.index_cast %select_n3A : i32 to index
      %swap3A_386 = arith.index_cast %add3A_384 : i32 to index
      %swap3A_387 = tpu.vector_load %arg9[%swap3A_385, %swap3A_386] {strides = array<i32>} : memref<32x768xf32, #tpu.memory_space<vmem>>, vector<1x16xf32>,
      %swap3A_388 = vector.shape_cast %swap3A_387 : vector<1x16xf32> to vector<16xf32>
      %swap3A_389 = vector.shape_cast %get3A_380 : vector<16xf32> to vector<1x16xf32>
      tpu.vector_store %arg9[%swap3A_385, %swap3A_386], %swap3A_389 {add = true, strides = array<i32>} : memref<32x768xf32, #tpu.memory_space<vmem>>, vector<1x16xf32>,
      %mul3A_390 = arith.constant 16 : i32
      %mul3A_391 = arith.muli %mul3A_272, %mul3A_390 : i32
      %add3A_392 = arith.constant 112 : i32
      %add3A_393 = arith.addi %mul3A_391, %add3A_392 : i32
      %get3A_394 = arith.index_cast %select_n3A : i32 to index
      %get3A_395 = arith.index_cast %add3A_393 : i32 to index
      %get3A_396 = tpu.vector_load %arg7[%get3A_394, %get3A_395] {strides = array<i32>} : memref<32x768xf32, #tpu.memory_space<vmem>>, vector<1x16xf32>,
      %get3A_397 = vector.shape_cast %get3A_396 : vector<1x16xf32> to vector<16xf32>
      %mul3A_398 = arith.constant 16 : i32
      %mul3A_399 = arith.muli %mul3A_272, %mul3A_398 : i32
      %add3A_400 = arith.constant 112 : i32
      %add3A_401 = arith.addi %mul3A_399, %add3A_400 : i32
      %swap3A_402 = arith.index_cast %select_n3A : i32 to index
      %swap3A_403 = arith.index_cast %add3A_401 : i32 to index
      %swap3A_404 = tpu.vector_load %arg9[%swap3A_402, %swap3A_403] {strides = array<i32>} : memref<32x768xf32, #tpu.memory_space<vmem>>, vector<1x16xf32>,
      %swap3A_405 = vector.shape_cast %swap3A_404 : vector<1x16xf32> to vector<16xf32>
      %swap3A_406 = vector.shape_cast %get3A_397 : vector<16xf32> to vector<1x16xf32>
      tpu.vector_store %arg9[%swap3A_402, %swap3A_403], %swap3A_406 {add = true, strides = array<i32>} : memref<32x768xf32, #tpu.memory_space<vmem>>, vector<1x16xf32>,
    }
    %scan3A_145 = arith.constant 192 : i32
    %dma_start3A_146 = arith.constant 1 : i32
    %dma_start3A_147 = arith.constant 0 : i32
    %dma_start3A_148 = tpu.memref_slice %arg5[%dma_start3A_146, %mul3A_2, %dma_start3A_147] : memref<4x1024x768xf32, #tpu.memory_space<hbm>> -> memref<1x32x768xf32, #tpu.memory_space<hbm>>
    %dma_start3A_149 = tpu.memref_squeeze %dma_start3A_148 : memref<1x32x768xf32, #tpu.memory_space<hbm>> -> memref<32x768xf32, #tpu.memory_space<hbm>>
    %dma_start3A_150 = arith.constant 0 : i32
    %dma_start3A_151 = tpu.memref_slice %arg5[%dma_start3A_146, %mul3A_2, %dma_start3A_150] : memref<4x1024x768xf32, #tpu.memory_space<hbm>> -> memref<1x32x768xf32, #tpu.memory_space<hbm>>
    %dma_start3A_152 = tpu.memref_squeeze %dma_start3A_151 : memref<1x32x768xf32, #tpu.memory_space<hbm>> -> memref<32x768xf32, #tpu.memory_space<hbm>>
    tpu.enqueue_dma source(%arg9 : memref<32x768xf32, #tpu.memory_space<vmem>>) target(%dma_start3A_152 : memref<32x768xf32, #tpu.memory_space<hbm>>) target_semaphore(%arg17 : memref<!tpu.dma_semaphore, #tpu.memory_space<semaphore_mem>>)
    %dma_wait3A_153 = arith.constant 3 : i32
    %dma_wait3A_154 = arith.constant 3 : i32
    %dma_wait3A_155 = arith.constant 0 : i32
    %dma_wait3A_156 = tpu.memref_slice %arg6[%dma_wait3A_154, %dma_wait3A_155] : memref<4x32xi32, #tpu.memory_space<vmem>> -> memref<1x32xi32, #tpu.memory_space<vmem>>
    %dma_wait3A_157 = tpu.memref_squeeze %dma_wait3A_156 : memref<1x32xi32, #tpu.memory_space<vmem>> -> memref<32xi32, #tpu.memory_space<vmem>>
    %dma_wait3A_158 = tpu.memref_slice %arg2[%dma_wait3A_153, %mul3A_2] : memref<4x1024xi32, #tpu.memory_space<hbm>> -> memref<1x32xi32, #tpu.memory_space<hbm>>
    %dma_wait3A_159 = tpu.memref_squeeze %dma_wait3A_158 : memref<1x32xi32, #tpu.memory_space<hbm>> -> memref<32xi32, #tpu.memory_space<hbm>>
    %dma_wait3A_160 = arith.constant 0 : i32
    %dma_wait3A_161 = tpu.memref_slice %arg6[%dma_wait3A_154, %dma_wait3A_160] : memref<4x32xi32, #tpu.memory_space<vmem>> -> memref<1x32xi32, #tpu.memory_space<vmem>>
    %dma_wait3A_162 = tpu.memref_squeeze %dma_wait3A_161 : memref<1x32xi32, #tpu.memory_space<vmem>> -> memref<32xi32, #tpu.memory_space<vmem>>
    %dma_wait3A_163 = tpu.memref_slice %arg2[%dma_wait3A_153, %mul3A_2] : memref<4x1024xi32, #tpu.memory_space<hbm>> -> memref<1x32xi32, #tpu.memory_space<hbm>>
    %dma_wait3A_164 = tpu.memref_squeeze %dma_wait3A_163 : memref<1x32xi32, #tpu.memory_space<hbm>> -> memref<32xi32, #tpu.memory_space<hbm>>
    tpu.wait_dma2 semaphore(%arg23 : memref<!tpu.dma_semaphore, #tpu.memory_space<semaphore_mem>>) src(%dma_wait3A_164 : memref<32xi32, #tpu.memory_space<hbm>>) dst(%dma_wait3A_162 : memref<32xi32, #tpu.memory_space<vmem>>)
    %dma_start3A_165 = arith.constant 3 : i32
    %dma_start3A_166 = arith.constant 0 : i32
    %dma_start3A_167 = tpu.memref_slice %arg6[%dma_start3A_165, %dma_start3A_166] : memref<4x32xi32, #tpu.memory_space<vmem>> -> memref<1x32xi32, #tpu.memory_space<vmem>>
    %dma_start3A_168 = tpu.memref_squeeze %dma_start3A_167 : memref<1x32xi32, #tpu.memory_space<vmem>> -> memref<32xi32, #tpu.memory_space<vmem>>
    %dma_start3A_169 = arith.constant 0 : i32
    %dma_start3A_170 = arith.constant 0 : i32
    %dma_start3A_171 = tpu.memref_slice %arg3[%dma_start3A_169, %dma_start3A_170] : memref<50257x768xf32, #tpu.memory_space<hbm>> -> memref<50257x768xf32, #tpu.memory_space<hbm>>
    tpu.enqueue_indirect_dma source(%dma_start3A_171 : memref<50257x768xf32, #tpu.memory_space<hbm>>) target(%arg11 : memref<32x768xf32, #tpu.memory_space<vmem>>) offsets(%dma_start3A_168 : memref<32xi32, #tpu.memory_space<vmem>>) semaphore(%arg15 : memref<!tpu.dma_semaphore, #tpu.memory_space<semaphore_mem>>)
    %dma_wait3A_172 = arith.constant 2 : i32
    %dma_wait3A_173 = arith.constant 0 : i32
    %dma_wait3A_174 = tpu.memref_slice %arg6[%dma_wait3A_172, %dma_wait3A_173] : memref<4x32xi32, #tpu.memory_space<vmem>> -> memref<1x32xi32, #tpu.memory_space<vmem>>
    %dma_wait3A_175 = tpu.memref_squeeze %dma_wait3A_174 : memref<1x32xi32, #tpu.memory_space<vmem>> -> memref<32xi32, #tpu.memory_space<vmem>>
    %dma_wait3A_176 = arith.constant 0 : i32
    %dma_wait3A_177 = arith.constant 0 : i32
    %dma_wait3A_178 = tpu.memref_slice %arg3[%dma_wait3A_176, %dma_wait3A_177] : memref<50257x768xf32, #tpu.memory_space<hbm>> -> memref<50257x768xf32, #tpu.memory_space<hbm>>
    tpu.wait_indirect_dma semaphore(%arg14 : memref<!tpu.dma_semaphore, #tpu.memory_space<semaphore_mem>>) src(%dma_wait3A_178 : memref<50257x768xf32, #tpu.memory_space<hbm>>) dst(%arg10 : memref<32x768xf32, #tpu.memory_space<vmem>>)
    %scan3A_179 = arith.constant 0 : i32
    %scan3A_180 = arith.constant 0 : i32
    %scan3A_181 = arith.constant 192 : i32
    %scan3A_182 = arith.addi %scan3A_180, %scan3A_181 : i32
    %scan3A_183 = arith.constant 1 : i32
    scf.for %scan3A_240 = %scan3A_180 to %scan3A_182 step %scan3A_183  : i32 {
      %jit3A = arith.constant 6 : i32
      %div3A = arith.divsi %scan3A_240, %jit3A : i32
      %sign3A = arith.constant 0 : i32
      %sign3A_241 = arith.cmpi sgt, %scan3A_240, %sign3A : i32
      %sign3A_242 = arith.extui %sign3A_241 : i1 to i32
      %sign3A_243 = arith.constant 0 : i32
      %sign3A_244 = arith.cmpi slt, %scan3A_240, %sign3A_243 : i32
      %sign3A_245 = arith.extui %sign3A_244 : i1 to i32
      %sign3A_246 = arith.subi %sign3A_242, %sign3A_245 : i32
      %sign3A_247 = arith.constant 0 : i32
      %sign3A_248 = arith.cmpi sgt, %jit3A, %sign3A_247 : i32
      %sign3A_249 = arith.extui %sign3A_248 : i1 to i32
      %sign3A_250 = arith.constant 0 : i32
      %sign3A_251 = arith.cmpi slt, %jit3A, %sign3A_250 : i32
      %sign3A_252 = arith.extui %sign3A_251 : i1 to i32
      %sign3A_253 = arith.subi %sign3A_249, %sign3A_252 : i32
      %ne3A = arith.cmpi ne, %sign3A_246, %sign3A_253 : i32
      %rem3A = arith.remsi %scan3A_240, %jit3A : i32
      %ne3A_254 = arith.constant 0 : i32
      %ne3A_255 = arith.cmpi ne, %rem3A, %ne3A_254 : i32
      %and3A = arith.andi %ne3A, %ne3A_255 : i1
      %sub3A = arith.constant 1 : i32
      %sub3A_256 = arith.subi %div3A, %sub3A : i32
      %select_n3A = arith.select %and3A, %sub3A_256, %div3A : i32
      %jit3A_257 = arith.constant 6 : i32
      %eq3A = arith.constant 0 : i32
      %eq3A_258 = arith.cmpi eq, %jit3A_257, %eq3A : i32
      %jit3A_259 = arith.constant 1 : i32
      %select_n3A_260 = arith.select %eq3A_258, %jit3A_259, %jit3A_257 : i32
      %rem3A_261 = arith.remsi %scan3A_240, %select_n3A_260 : i32
      %ne3A_262 = arith.constant 0 : i32
      %ne3A_263 = arith.cmpi ne, %rem3A_261, %ne3A_262 : i32
      %lt3A = arith.constant 0 : i32
      %lt3A_264 = arith.cmpi slt, %rem3A_261, %lt3A : i32
      %lt3A_265 = arith.constant 0 : i32
      %lt3A_266 = arith.cmpi slt, %select_n3A_260, %lt3A_265 : i32
      %ne3A_267 = arith.xori %lt3A_264, %lt3A_266 : i1
      %and3A_268 = arith.andi %ne3A_267, %ne3A_263 : i1
      %add3A_269 = arith.addi %rem3A_261, %select_n3A_260 : i32
      %select_n3A_270 = arith.select %and3A_268, %add3A_269, %rem3A_261 : i32
      %mul3A_271 = arith.constant 8 : i32
      %mul3A_272 = arith.muli %select_n3A_270, %mul3A_271 : i32
      %mul3A_273 = arith.constant 16 : i32
      %mul3A_274 = arith.muli %mul3A_272, %mul3A_273 : i32
      %add3A_275 = arith.constant 0 : i32
      %add3A_276 = arith.addi %mul3A_274, %add3A_275 : i32
      %get3A = arith.index_cast %select_n3A : i32 to index
      %get3A_277 = arith.index_cast %add3A_276 : i32 to index
      %get3A_278 = tpu.vector_load %arg7[%get3A, %get3A_277] {strides = array<i32>} : memref<32x768xf32, #tpu.memory_space<vmem>>, vector<1x16xf32>,
      %get3A_279 = vector.shape_cast %get3A_278 : vector<1x16xf32> to vector<16xf32>
      %mul3A_280 = arith.constant 16 : i32
      %mul3A_281 = arith.muli %mul3A_272, %mul3A_280 : i32
      %add3A_282 = arith.constant 0 : i32
      %add3A_283 = arith.addi %mul3A_281, %add3A_282 : i32
      %swap3A = arith.index_cast %select_n3A : i32 to index
      %swap3A_284 = arith.index_cast %add3A_283 : i32 to index
      %swap3A_285 = tpu.vector_load %arg10[%swap3A, %swap3A_284] {strides = array<i32>} : memref<32x768xf32, #tpu.memory_space<vmem>>, vector<1x16xf32>,
      %swap3A_286 = vector.shape_cast %swap3A_285 : vector<1x16xf32> to vector<16xf32>
      %swap3A_287 = vector.shape_cast %get3A_279 : vector<16xf32> to vector<1x16xf32>
      tpu.vector_store %arg10[%swap3A, %swap3A_284], %swap3A_287 {add = true, strides = array<i32>} : memref<32x768xf32, #tpu.memory_space<vmem>>, vector<1x16xf32>,
      %mul3A_288 = arith.constant 16 : i32
      %mul3A_289 = arith.muli %mul3A_272, %mul3A_288 : i32
      %add3A_290 = arith.constant 16 : i32
      %add3A_291 = arith.addi %mul3A_289, %add3A_290 : i32
      %get3A_292 = arith.index_cast %select_n3A : i32 to index
      %get3A_293 = arith.index_cast %add3A_291 : i32 to index
      %get3A_294 = tpu.vector_load %arg7[%get3A_292, %get3A_293] {strides = array<i32>} : memref<32x768xf32, #tpu.memory_space<vmem>>, vector<1x16xf32>,
      %get3A_295 = vector.shape_cast %get3A_294 : vector<1x16xf32> to vector<16xf32>
      %mul3A_296 = arith.constant 16 : i32
      %mul3A_297 = arith.muli %mul3A_272, %mul3A_296 : i32
      %add3A_298 = arith.constant 16 : i32
      %add3A_299 = arith.addi %mul3A_297, %add3A_298 : i32
      %swap3A_300 = arith.index_cast %select_n3A : i32 to index
      %swap3A_301 = arith.index_cast %add3A_299 : i32 to index
      %swap3A_302 = tpu.vector_load %arg10[%swap3A_300, %swap3A_301] {strides = array<i32>} : memref<32x768xf32, #tpu.memory_space<vmem>>, vector<1x16xf32>,
      %swap3A_303 = vector.shape_cast %swap3A_302 : vector<1x16xf32> to vector<16xf32>
      %swap3A_304 = vector.shape_cast %get3A_295 : vector<16xf32> to vector<1x16xf32>
      tpu.vector_store %arg10[%swap3A_300, %swap3A_301], %swap3A_304 {add = true, strides = array<i32>} : memref<32x768xf32, #tpu.memory_space<vmem>>, vector<1x16xf32>,
      %mul3A_305 = arith.constant 16 : i32
      %mul3A_306 = arith.muli %mul3A_272, %mul3A_305 : i32
      %add3A_307 = arith.constant 32 : i32
      %add3A_308 = arith.addi %mul3A_306, %add3A_307 : i32
      %get3A_309 = arith.index_cast %select_n3A : i32 to index
      %get3A_310 = arith.index_cast %add3A_308 : i32 to index
      %get3A_311 = tpu.vector_load %arg7[%get3A_309, %get3A_310] {strides = array<i32>} : memref<32x768xf32, #tpu.memory_space<vmem>>, vector<1x16xf32>,
      %get3A_312 = vector.shape_cast %get3A_311 : vector<1x16xf32> to vector<16xf32>
      %mul3A_313 = arith.constant 16 : i32
      %mul3A_314 = arith.muli %mul3A_272, %mul3A_313 : i32
      %add3A_315 = arith.constant 32 : i32
      %add3A_316 = arith.addi %mul3A_314, %add3A_315 : i32
      %swap3A_317 = arith.index_cast %select_n3A : i32 to index
      %swap3A_318 = arith.index_cast %add3A_316 : i32 to index
      %swap3A_319 = tpu.vector_load %arg10[%swap3A_317, %swap3A_318] {strides = array<i32>} : memref<32x768xf32, #tpu.memory_space<vmem>>, vector<1x16xf32>,
      %swap3A_320 = vector.shape_cast %swap3A_319 : vector<1x16xf32> to vector<16xf32>
      %swap3A_321 = vector.shape_cast %get3A_312 : vector<16xf32> to vector<1x16xf32>
      tpu.vector_store %arg10[%swap3A_317, %swap3A_318], %swap3A_321 {add = true, strides = array<i32>} : memref<32x768xf32, #tpu.memory_space<vmem>>, vector<1x16xf32>,
      %mul3A_322 = arith.constant 16 : i32
      %mul3A_323 = arith.muli %mul3A_272, %mul3A_322 : i32
      %add3A_324 = arith.constant 48 : i32
      %add3A_325 = arith.addi %mul3A_323, %add3A_324 : i32
      %get3A_326 = arith.index_cast %select_n3A : i32 to index
      %get3A_327 = arith.index_cast %add3A_325 : i32 to index
      %get3A_328 = tpu.vector_load %arg7[%get3A_326, %get3A_327] {strides = array<i32>} : memref<32x768xf32, #tpu.memory_space<vmem>>, vector<1x16xf32>,
      %get3A_329 = vector.shape_cast %get3A_328 : vector<1x16xf32> to vector<16xf32>
      %mul3A_330 = arith.constant 16 : i32
      %mul3A_331 = arith.muli %mul3A_272, %mul3A_330 : i32
      %add3A_332 = arith.constant 48 : i32
      %add3A_333 = arith.addi %mul3A_331, %add3A_332 : i32
      %swap3A_334 = arith.index_cast %select_n3A : i32 to index
      %swap3A_335 = arith.index_cast %add3A_333 : i32 to index
      %swap3A_336 = tpu.vector_load %arg10[%swap3A_334, %swap3A_335] {strides = array<i32>} : memref<32x768xf32, #tpu.memory_space<vmem>>, vector<1x16xf32>,
      %swap3A_337 = vector.shape_cast %swap3A_336 : vector<1x16xf32> to vector<16xf32>
      %swap3A_338 = vector.shape_cast %get3A_329 : vector<16xf32> to vector<1x16xf32>
      tpu.vector_store %arg10[%swap3A_334, %swap3A_335], %swap3A_338 {add = true, strides = array<i32>} : memref<32x768xf32, #tpu.memory_space<vmem>>, vector<1x16xf32>,
      %mul3A_339 = arith.constant 16 : i32
      %mul3A_340 = arith.muli %mul3A_272, %mul3A_339 : i32
      %add3A_341 = arith.constant 64 : i32
      %add3A_342 = arith.addi %mul3A_340, %add3A_341 : i32
      %get3A_343 = arith.index_cast %select_n3A : i32 to index
      %get3A_344 = arith.index_cast %add3A_342 : i32 to index
      %get3A_345 = tpu.vector_load %arg7[%get3A_343, %get3A_344] {strides = array<i32>} : memref<32x768xf32, #tpu.memory_space<vmem>>, vector<1x16xf32>,
      %get3A_346 = vector.shape_cast %get3A_345 : vector<1x16xf32> to vector<16xf32>
      %mul3A_347 = arith.constant 16 : i32
      %mul3A_348 = arith.muli %mul3A_272, %mul3A_347 : i32
      %add3A_349 = arith.constant 64 : i32
      %add3A_350 = arith.addi %mul3A_348, %add3A_349 : i32
      %swap3A_351 = arith.index_cast %select_n3A : i32 to index
      %swap3A_352 = arith.index_cast %add3A_350 : i32 to index
      %swap3A_353 = tpu.vector_load %arg10[%swap3A_351, %swap3A_352] {strides = array<i32>} : memref<32x768xf32, #tpu.memory_space<vmem>>, vector<1x16xf32>,
      %swap3A_354 = vector.shape_cast %swap3A_353 : vector<1x16xf32> to vector<16xf32>
      %swap3A_355 = vector.shape_cast %get3A_346 : vector<16xf32> to vector<1x16xf32>
      tpu.vector_store %arg10[%swap3A_351, %swap3A_352], %swap3A_355 {add = true, strides = array<i32>} : memref<32x768xf32, #tpu.memory_space<vmem>>, vector<1x16xf32>,
      %mul3A_356 = arith.constant 16 : i32
      %mul3A_357 = arith.muli %mul3A_272, %mul3A_356 : i32
      %add3A_358 = arith.constant 80 : i32
      %add3A_359 = arith.addi %mul3A_357, %add3A_358 : i32
      %get3A_360 = arith.index_cast %select_n3A : i32 to index
      %get3A_361 = arith.index_cast %add3A_359 : i32 to index
      %get3A_362 = tpu.vector_load %arg7[%get3A_360, %get3A_361] {strides = array<i32>} : memref<32x768xf32, #tpu.memory_space<vmem>>, vector<1x16xf32>,
      %get3A_363 = vector.shape_cast %get3A_362 : vector<1x16xf32> to vector<16xf32>
      %mul3A_364 = arith.constant 16 : i32
      %mul3A_365 = arith.muli %mul3A_272, %mul3A_364 : i32
      %add3A_366 = arith.constant 80 : i32
      %add3A_367 = arith.addi %mul3A_365, %add3A_366 : i32
      %swap3A_368 = arith.index_cast %select_n3A : i32 to index
      %swap3A_369 = arith.index_cast %add3A_367 : i32 to index
      %swap3A_370 = tpu.vector_load %arg10[%swap3A_368, %swap3A_369] {strides = array<i32>} : memref<32x768xf32, #tpu.memory_space<vmem>>, vector<1x16xf32>,
      %swap3A_371 = vector.shape_cast %swap3A_370 : vector<1x16xf32> to vector<16xf32>
      %swap3A_372 = vector.shape_cast %get3A_363 : vector<16xf32> to vector<1x16xf32>
      tpu.vector_store %arg10[%swap3A_368, %swap3A_369], %swap3A_372 {add = true, strides = array<i32>} : memref<32x768xf32, #tpu.memory_space<vmem>>, vector<1x16xf32>,
      %mul3A_373 = arith.constant 16 : i32
      %mul3A_374 = arith.muli %mul3A_272, %mul3A_373 : i32
      %add3A_375 = arith.constant 96 : i32
      %add3A_376 = arith.addi %mul3A_374, %add3A_375 : i32
      %get3A_377 = arith.index_cast %select_n3A : i32 to index
      %get3A_378 = arith.index_cast %add3A_376 : i32 to index
      %get3A_379 = tpu.vector_load %arg7[%get3A_377, %get3A_378] {strides = array<i32>} : memref<32x768xf32, #tpu.memory_space<vmem>>, vector<1x16xf32>,
      %get3A_380 = vector.shape_cast %get3A_379 : vector<1x16xf32> to vector<16xf32>
      %mul3A_381 = arith.constant 16 : i32
      %mul3A_382 = arith.muli %mul3A_272, %mul3A_381 : i32
      %add3A_383 = arith.constant 96 : i32
      %add3A_384 = arith.addi %mul3A_382, %add3A_383 : i32
      %swap3A_385 = arith.index_cast %select_n3A : i32 to index
      %swap3A_386 = arith.index_cast %add3A_384 : i32 to index
      %swap3A_387 = tpu.vector_load %arg10[%swap3A_385, %swap3A_386] {strides = array<i32>} : memref<32x768xf32, #tpu.memory_space<vmem>>, vector<1x16xf32>,
      %swap3A_388 = vector.shape_cast %swap3A_387 : vector<1x16xf32> to vector<16xf32>
      %swap3A_389 = vector.shape_cast %get3A_380 : vector<16xf32> to vector<1x16xf32>
      tpu.vector_store %arg10[%swap3A_385, %swap3A_386], %swap3A_389 {add = true, strides = array<i32>} : memref<32x768xf32, #tpu.memory_space<vmem>>, vector<1x16xf32>,
      %mul3A_390 = arith.constant 16 : i32
      %mul3A_391 = arith.muli %mul3A_272, %mul3A_390 : i32
      %add3A_392 = arith.constant 112 : i32
      %add3A_393 = arith.addi %mul3A_391, %add3A_392 : i32
      %get3A_394 = arith.index_cast %select_n3A : i32 to index
      %get3A_395 = arith.index_cast %add3A_393 : i32 to index
      %get3A_396 = tpu.vector_load %arg7[%get3A_394, %get3A_395] {strides = array<i32>} : memref<32x768xf32, #tpu.memory_space<vmem>>, vector<1x16xf32>,
      %get3A_397 = vector.shape_cast %get3A_396 : vector<1x16xf32> to vector<16xf32>
      %mul3A_398 = arith.constant 16 : i32
      %mul3A_399 = arith.muli %mul3A_272, %mul3A_398 : i32
      %add3A_400 = arith.constant 112 : i32
      %add3A_401 = arith.addi %mul3A_399, %add3A_400 : i32
      %swap3A_402 = arith.index_cast %select_n3A : i32 to index
      %swap3A_403 = arith.index_cast %add3A_401 : i32 to index
      %swap3A_404 = tpu.vector_load %arg10[%swap3A_402, %swap3A_403] {strides = array<i32>} : memref<32x768xf32, #tpu.memory_space<vmem>>, vector<1x16xf32>,
      %swap3A_405 = vector.shape_cast %swap3A_404 : vector<1x16xf32> to vector<16xf32>
      %swap3A_406 = vector.shape_cast %get3A_397 : vector<16xf32> to vector<1x16xf32>
      tpu.vector_store %arg10[%swap3A_402, %swap3A_403], %swap3A_406 {add = true, strides = array<i32>} : memref<32x768xf32, #tpu.memory_space<vmem>>, vector<1x16xf32>,
    }
    %scan3A_184 = arith.constant 192 : i32
    %dma_start3A_185 = arith.constant 2 : i32
    %dma_start3A_186 = arith.constant 0 : i32
    %dma_start3A_187 = tpu.memref_slice %arg5[%dma_start3A_185, %mul3A_2, %dma_start3A_186] : memref<4x1024x768xf32, #tpu.memory_space<hbm>> -> memref<1x32x768xf32, #tpu.memory_space<hbm>>
    %dma_start3A_188 = tpu.memref_squeeze %dma_start3A_187 : memref<1x32x768xf32, #tpu.memory_space<hbm>> -> memref<32x768xf32, #tpu.memory_space<hbm>>
    %dma_start3A_189 = arith.constant 0 : i32
    %dma_start3A_190 = tpu.memref_slice %arg5[%dma_start3A_185, %mul3A_2, %dma_start3A_189] : memref<4x1024x768xf32, #tpu.memory_space<hbm>> -> memref<1x32x768xf32, #tpu.memory_space<hbm>>
    %dma_start3A_191 = tpu.memref_squeeze %dma_start3A_190 : memref<1x32x768xf32, #tpu.memory_space<hbm>> -> memref<32x768xf32, #tpu.memory_space<hbm>>
    tpu.enqueue_dma source(%arg10 : memref<32x768xf32, #tpu.memory_space<vmem>>) target(%dma_start3A_191 : memref<32x768xf32, #tpu.memory_space<hbm>>) target_semaphore(%arg18 : memref<!tpu.dma_semaphore, #tpu.memory_space<semaphore_mem>>)
    %dma_wait3A_192 = arith.constant 3 : i32
    %dma_wait3A_193 = arith.constant 0 : i32
    %dma_wait3A_194 = tpu.memref_slice %arg6[%dma_wait3A_192, %dma_wait3A_193] : memref<4x32xi32, #tpu.memory_space<vmem>> -> memref<1x32xi32, #tpu.memory_space<vmem>>
    %dma_wait3A_195 = tpu.memref_squeeze %dma_wait3A_194 : memref<1x32xi32, #tpu.memory_space<vmem>> -> memref<32xi32, #tpu.memory_space<vmem>>
    %dma_wait3A_196 = arith.constant 0 : i32
    %dma_wait3A_197 = arith.constant 0 : i32
    %dma_wait3A_198 = tpu.memref_slice %arg3[%dma_wait3A_196, %dma_wait3A_197] : memref<50257x768xf32, #tpu.memory_space<hbm>> -> memref<50257x768xf32, #tpu.memory_space<hbm>>
    tpu.wait_indirect_dma semaphore(%arg15 : memref<!tpu.dma_semaphore, #tpu.memory_space<semaphore_mem>>) src(%dma_wait3A_198 : memref<50257x768xf32, #tpu.memory_space<hbm>>) dst(%arg11 : memref<32x768xf32, #tpu.memory_space<vmem>>)
    %scan3A_199 = arith.constant 0 : i32
    %scan3A_200 = arith.constant 0 : i32
    %scan3A_201 = arith.constant 192 : i32
    %scan3A_202 = arith.addi %scan3A_200, %scan3A_201 : i32
    %scan3A_203 = arith.constant 1 : i32
    scf.for %scan3A_240 = %scan3A_200 to %scan3A_202 step %scan3A_203  : i32 {
      %jit3A = arith.constant 6 : i32
      %div3A = arith.divsi %scan3A_240, %jit3A : i32
      %sign3A = arith.constant 0 : i32
      %sign3A_241 = arith.cmpi sgt, %scan3A_240, %sign3A : i32
      %sign3A_242 = arith.extui %sign3A_241 : i1 to i32
      %sign3A_243 = arith.constant 0 : i32
      %sign3A_244 = arith.cmpi slt, %scan3A_240, %sign3A_243 : i32
      %sign3A_245 = arith.extui %sign3A_244 : i1 to i32
      %sign3A_246 = arith.subi %sign3A_242, %sign3A_245 : i32
      %sign3A_247 = arith.constant 0 : i32
      %sign3A_248 = arith.cmpi sgt, %jit3A, %sign3A_247 : i32
      %sign3A_249 = arith.extui %sign3A_248 : i1 to i32
      %sign3A_250 = arith.constant 0 : i32
      %sign3A_251 = arith.cmpi slt, %jit3A, %sign3A_250 : i32
      %sign3A_252 = arith.extui %sign3A_251 : i1 to i32
      %sign3A_253 = arith.subi %sign3A_249, %sign3A_252 : i32
      %ne3A = arith.cmpi ne, %sign3A_246, %sign3A_253 : i32
      %rem3A = arith.remsi %scan3A_240, %jit3A : i32
      %ne3A_254 = arith.constant 0 : i32
      %ne3A_255 = arith.cmpi ne, %rem3A, %ne3A_254 : i32
      %and3A = arith.andi %ne3A, %ne3A_255 : i1
      %sub3A = arith.constant 1 : i32
      %sub3A_256 = arith.subi %div3A, %sub3A : i32
      %select_n3A = arith.select %and3A, %sub3A_256, %div3A : i32
      %jit3A_257 = arith.constant 6 : i32
      %eq3A = arith.constant 0 : i32
      %eq3A_258 = arith.cmpi eq, %jit3A_257, %eq3A : i32
      %jit3A_259 = arith.constant 1 : i32
      %select_n3A_260 = arith.select %eq3A_258, %jit3A_259, %jit3A_257 : i32
      %rem3A_261 = arith.remsi %scan3A_240, %select_n3A_260 : i32
      %ne3A_262 = arith.constant 0 : i32
      %ne3A_263 = arith.cmpi ne, %rem3A_261, %ne3A_262 : i32
      %lt3A = arith.constant 0 : i32
      %lt3A_264 = arith.cmpi slt, %rem3A_261, %lt3A : i32
      %lt3A_265 = arith.constant 0 : i32
      %lt3A_266 = arith.cmpi slt, %select_n3A_260, %lt3A_265 : i32
      %ne3A_267 = arith.xori %lt3A_264, %lt3A_266 : i1
      %and3A_268 = arith.andi %ne3A_267, %ne3A_263 : i1
      %add3A_269 = arith.addi %rem3A_261, %select_n3A_260 : i32
      %select_n3A_270 = arith.select %and3A_268, %add3A_269, %rem3A_261 : i32
      %mul3A_271 = arith.constant 8 : i32
      %mul3A_272 = arith.muli %select_n3A_270, %mul3A_271 : i32
      %mul3A_273 = arith.constant 16 : i32
      %mul3A_274 = arith.muli %mul3A_272, %mul3A_273 : i32
      %add3A_275 = arith.constant 0 : i32
      %add3A_276 = arith.addi %mul3A_274, %add3A_275 : i32
      %get3A = arith.index_cast %select_n3A : i32 to index
      %get3A_277 = arith.index_cast %add3A_276 : i32 to index
      %get3A_278 = tpu.vector_load %arg7[%get3A, %get3A_277] {strides = array<i32>} : memref<32x768xf32, #tpu.memory_space<vmem>>, vector<1x16xf32>,
      %get3A_279 = vector.shape_cast %get3A_278 : vector<1x16xf32> to vector<16xf32>
      %mul3A_280 = arith.constant 16 : i32
      %mul3A_281 = arith.muli %mul3A_272, %mul3A_280 : i32
      %add3A_282 = arith.constant 0 : i32
      %add3A_283 = arith.addi %mul3A_281, %add3A_282 : i32
      %swap3A = arith.index_cast %select_n3A : i32 to index
      %swap3A_284 = arith.index_cast %add3A_283 : i32 to index
      %swap3A_285 = tpu.vector_load %arg11[%swap3A, %swap3A_284] {strides = array<i32>} : memref<32x768xf32, #tpu.memory_space<vmem>>, vector<1x16xf32>,
      %swap3A_286 = vector.shape_cast %swap3A_285 : vector<1x16xf32> to vector<16xf32>
      %swap3A_287 = vector.shape_cast %get3A_279 : vector<16xf32> to vector<1x16xf32>
      tpu.vector_store %arg11[%swap3A, %swap3A_284], %swap3A_287 {add = true, strides = array<i32>} : memref<32x768xf32, #tpu.memory_space<vmem>>, vector<1x16xf32>,
      %mul3A_288 = arith.constant 16 : i32
      %mul3A_289 = arith.muli %mul3A_272, %mul3A_288 : i32
      %add3A_290 = arith.constant 16 : i32
      %add3A_291 = arith.addi %mul3A_289, %add3A_290 : i32
      %get3A_292 = arith.index_cast %select_n3A : i32 to index
      %get3A_293 = arith.index_cast %add3A_291 : i32 to index
      %get3A_294 = tpu.vector_load %arg7[%get3A_292, %get3A_293] {strides = array<i32>} : memref<32x768xf32, #tpu.memory_space<vmem>>, vector<1x16xf32>,
      %get3A_295 = vector.shape_cast %get3A_294 : vector<1x16xf32> to vector<16xf32>
      %mul3A_296 = arith.constant 16 : i32
      %mul3A_297 = arith.muli %mul3A_272, %mul3A_296 : i32
      %add3A_298 = arith.constant 16 : i32
      %add3A_299 = arith.addi %mul3A_297, %add3A_298 : i32
      %swap3A_300 = arith.index_cast %select_n3A : i32 to index
      %swap3A_301 = arith.index_cast %add3A_299 : i32 to index
      %swap3A_302 = tpu.vector_load %arg11[%swap3A_300, %swap3A_301] {strides = array<i32>} : memref<32x768xf32, #tpu.memory_space<vmem>>, vector<1x16xf32>,
      %swap3A_303 = vector.shape_cast %swap3A_302 : vector<1x16xf32> to vector<16xf32>
      %swap3A_304 = vector.shape_cast %get3A_295 : vector<16xf32> to vector<1x16xf32>
      tpu.vector_store %arg11[%swap3A_300, %swap3A_301], %swap3A_304 {add = true, strides = array<i32>} : memref<32x768xf32, #tpu.memory_space<vmem>>, vector<1x16xf32>,
      %mul3A_305 = arith.constant 16 : i32
      %mul3A_306 = arith.muli %mul3A_272, %mul3A_305 : i32
      %add3A_307 = arith.constant 32 : i32
      %add3A_308 = arith.addi %mul3A_306, %add3A_307 : i32
      %get3A_309 = arith.index_cast %select_n3A : i32 to index
      %get3A_310 = arith.index_cast %add3A_308 : i32 to index
      %get3A_311 = tpu.vector_load %arg7[%get3A_309, %get3A_310] {strides = array<i32>} : memref<32x768xf32, #tpu.memory_space<vmem>>, vector<1x16xf32>,
      %get3A_312 = vector.shape_cast %get3A_311 : vector<1x16xf32> to vector<16xf32>
      %mul3A_313 = arith.constant 16 : i32
      %mul3A_314 = arith.muli %mul3A_272, %mul3A_313 : i32
      %add3A_315 = arith.constant 32 : i32
      %add3A_316 = arith.addi %mul3A_314, %add3A_315 : i32
      %swap3A_317 = arith.index_cast %select_n3A : i32 to index
      %swap3A_318 = arith.index_cast %add3A_316 : i32 to index
      %swap3A_319 = tpu.vector_load %arg11[%swap3A_317, %swap3A_318] {strides = array<i32>} : memref<32x768xf32, #tpu.memory_space<vmem>>, vector<1x16xf32>,
      %swap3A_320 = vector.shape_cast %swap3A_319 : vector<1x16xf32> to vector<16xf32>
      %swap3A_321 = vector.shape_cast %get3A_312 : vector<16xf32> to vector<1x16xf32>
      tpu.vector_store %arg11[%swap3A_317, %swap3A_318], %swap3A_321 {add = true, strides = array<i32>} : memref<32x768xf32, #tpu.memory_space<vmem>>, vector<1x16xf32>,
      %mul3A_322 = arith.constant 16 : i32
      %mul3A_323 = arith.muli %mul3A_272, %mul3A_322 : i32
      %add3A_324 = arith.constant 48 : i32
      %add3A_325 = arith.addi %mul3A_323, %add3A_324 : i32
      %get3A_326 = arith.index_cast %select_n3A : i32 to index
      %get3A_327 = arith.index_cast %add3A_325 : i32 to index
      %get3A_328 = tpu.vector_load %arg7[%get3A_326, %get3A_327] {strides = array<i32>} : memref<32x768xf32, #tpu.memory_space<vmem>>, vector<1x16xf32>,
      %get3A_329 = vector.shape_cast %get3A_328 : vector<1x16xf32> to vector<16xf32>
      %mul3A_330 = arith.constant 16 : i32
      %mul3A_331 = arith.muli %mul3A_272, %mul3A_330 : i32
      %add3A_332 = arith.constant 48 : i32
      %add3A_333 = arith.addi %mul3A_331, %add3A_332 : i32
      %swap3A_334 = arith.index_cast %select_n3A : i32 to index
      %swap3A_335 = arith.index_cast %add3A_333 : i32 to index
      %swap3A_336 = tpu.vector_load %arg11[%swap3A_334, %swap3A_335] {strides = array<i32>} : memref<32x768xf32, #tpu.memory_space<vmem>>, vector<1x16xf32>,
      %swap3A_337 = vector.shape_cast %swap3A_336 : vector<1x16xf32> to vector<16xf32>
      %swap3A_338 = vector.shape_cast %get3A_329 : vector<16xf32> to vector<1x16xf32>
      tpu.vector_store %arg11[%swap3A_334, %swap3A_335], %swap3A_338 {add = true, strides = array<i32>} : memref<32x768xf32, #tpu.memory_space<vmem>>, vector<1x16xf32>,
      %mul3A_339 = arith.constant 16 : i32
      %mul3A_340 = arith.muli %mul3A_272, %mul3A_339 : i32
      %add3A_341 = arith.constant 64 : i32
      %add3A_342 = arith.addi %mul3A_340, %add3A_341 : i32
      %get3A_343 = arith.index_cast %select_n3A : i32 to index
      %get3A_344 = arith.index_cast %add3A_342 : i32 to index
      %get3A_345 = tpu.vector_load %arg7[%get3A_343, %get3A_344] {strides = array<i32>} : memref<32x768xf32, #tpu.memory_space<vmem>>, vector<1x16xf32>,
      %get3A_346 = vector.shape_cast %get3A_345 : vector<1x16xf32> to vector<16xf32>
      %mul3A_347 = arith.constant 16 : i32
      %mul3A_348 = arith.muli %mul3A_272, %mul3A_347 : i32
      %add3A_349 = arith.constant 64 : i32
      %add3A_350 = arith.addi %mul3A_348, %add3A_349 : i32
      %swap3A_351 = arith.index_cast %select_n3A : i32 to index
      %swap3A_352 = arith.index_cast %add3A_350 : i32 to index
      %swap3A_353 = tpu.vector_load %arg11[%swap3A_351, %swap3A_352] {strides = array<i32>} : memref<32x768xf32, #tpu.memory_space<vmem>>, vector<1x16xf32>,
      %swap3A_354 = vector.shape_cast %swap3A_353 : vector<1x16xf32> to vector<16xf32>
      %swap3A_355 = vector.shape_cast %get3A_346 : vector<16xf32> to vector<1x16xf32>
      tpu.vector_store %arg11[%swap3A_351, %swap3A_352], %swap3A_355 {add = true, strides = array<i32>} : memref<32x768xf32, #tpu.memory_space<vmem>>, vector<1x16xf32>,
      %mul3A_356 = arith.constant 16 : i32
      %mul3A_357 = arith.muli %mul3A_272, %mul3A_356 : i32
      %add3A_358 = arith.constant 80 : i32
      %add3A_359 = arith.addi %mul3A_357, %add3A_358 : i32
      %get3A_360 = arith.index_cast %select_n3A : i32 to index
      %get3A_361 = arith.index_cast %add3A_359 : i32 to index
      %get3A_362 = tpu.vector_load %arg7[%get3A_360, %get3A_361] {strides = array<i32>} : memref<32x768xf32, #tpu.memory_space<vmem>>, vector<1x16xf32>,
      %get3A_363 = vector.shape_cast %get3A_362 : vector<1x16xf32> to vector<16xf32>
      %mul3A_364 = arith.constant 16 : i32
      %mul3A_365 = arith.muli %mul3A_272, %mul3A_364 : i32
      %add3A_366 = arith.constant 80 : i32
      %add3A_367 = arith.addi %mul3A_365, %add3A_366 : i32
      %swap3A_368 = arith.index_cast %select_n3A : i32 to index
      %swap3A_369 = arith.index_cast %add3A_367 : i32 to index
      %swap3A_370 = tpu.vector_load %arg11[%swap3A_368, %swap3A_369] {strides = array<i32>} : memref<32x768xf32, #tpu.memory_space<vmem>>, vector<1x16xf32>,
      %swap3A_371 = vector.shape_cast %swap3A_370 : vector<1x16xf32> to vector<16xf32>
      %swap3A_372 = vector.shape_cast %get3A_363 : vector<16xf32> to vector<1x16xf32>
      tpu.vector_store %arg11[%swap3A_368, %swap3A_369], %swap3A_372 {add = true, strides = array<i32>} : memref<32x768xf32, #tpu.memory_space<vmem>>, vector<1x16xf32>,
      %mul3A_373 = arith.constant 16 : i32
      %mul3A_374 = arith.muli %mul3A_272, %mul3A_373 : i32
      %add3A_375 = arith.constant 96 : i32
      %add3A_376 = arith.addi %mul3A_374, %add3A_375 : i32
      %get3A_377 = arith.index_cast %select_n3A : i32 to index
      %get3A_378 = arith.index_cast %add3A_376 : i32 to index
      %get3A_379 = tpu.vector_load %arg7[%get3A_377, %get3A_378] {strides = array<i32>} : memref<32x768xf32, #tpu.memory_space<vmem>>, vector<1x16xf32>,
      %get3A_380 = vector.shape_cast %get3A_379 : vector<1x16xf32> to vector<16xf32>
      %mul3A_381 = arith.constant 16 : i32
      %mul3A_382 = arith.muli %mul3A_272, %mul3A_381 : i32
      %add3A_383 = arith.constant 96 : i32
      %add3A_384 = arith.addi %mul3A_382, %add3A_383 : i32
      %swap3A_385 = arith.index_cast %select_n3A : i32 to index
      %swap3A_386 = arith.index_cast %add3A_384 : i32 to index
      %swap3A_387 = tpu.vector_load %arg11[%swap3A_385, %swap3A_386] {strides = array<i32>} : memref<32x768xf32, #tpu.memory_space<vmem>>, vector<1x16xf32>,
      %swap3A_388 = vector.shape_cast %swap3A_387 : vector<1x16xf32> to vector<16xf32>
      %swap3A_389 = vector.shape_cast %get3A_380 : vector<16xf32> to vector<1x16xf32>
      tpu.vector_store %arg11[%swap3A_385, %swap3A_386], %swap3A_389 {add = true, strides = array<i32>} : memref<32x768xf32, #tpu.memory_space<vmem>>, vector<1x16xf32>,
      %mul3A_390 = arith.constant 16 : i32
      %mul3A_391 = arith.muli %mul3A_272, %mul3A_390 : i32
      %add3A_392 = arith.constant 112 : i32
      %add3A_393 = arith.addi %mul3A_391, %add3A_392 : i32
      %get3A_394 = arith.index_cast %select_n3A : i32 to index
      %get3A_395 = arith.index_cast %add3A_393 : i32 to index
      %get3A_396 = tpu.vector_load %arg7[%get3A_394, %get3A_395] {strides = array<i32>} : memref<32x768xf32, #tpu.memory_space<vmem>>, vector<1x16xf32>,
      %get3A_397 = vector.shape_cast %get3A_396 : vector<1x16xf32> to vector<16xf32>
      %mul3A_398 = arith.constant 16 : i32
      %mul3A_399 = arith.muli %mul3A_272, %mul3A_398 : i32
      %add3A_400 = arith.constant 112 : i32
      %add3A_401 = arith.addi %mul3A_399, %add3A_400 : i32
      %swap3A_402 = arith.index_cast %select_n3A : i32 to index
      %swap3A_403 = arith.index_cast %add3A_401 : i32 to index
      %swap3A_404 = tpu.vector_load %arg11[%swap3A_402, %swap3A_403] {strides = array<i32>} : memref<32x768xf32, #tpu.memory_space<vmem>>, vector<1x16xf32>,
      %swap3A_405 = vector.shape_cast %swap3A_404 : vector<1x16xf32> to vector<16xf32>
      %swap3A_406 = vector.shape_cast %get3A_397 : vector<16xf32> to vector<1x16xf32>
      tpu.vector_store %arg11[%swap3A_402, %swap3A_403], %swap3A_406 {add = true, strides = array<i32>} : memref<32x768xf32, #tpu.memory_space<vmem>>, vector<1x16xf32>,
    }
    %scan3A_204 = arith.constant 192 : i32
    %dma_start3A_205 = arith.constant 3 : i32
    %dma_start3A_206 = arith.constant 0 : i32
    %dma_start3A_207 = tpu.memref_slice %arg5[%dma_start3A_205, %mul3A_2, %dma_start3A_206] : memref<4x1024x768xf32, #tpu.memory_space<hbm>> -> memref<1x32x768xf32, #tpu.memory_space<hbm>>
    %dma_start3A_208 = tpu.memref_squeeze %dma_start3A_207 : memref<1x32x768xf32, #tpu.memory_space<hbm>> -> memref<32x768xf32, #tpu.memory_space<hbm>>
    %dma_start3A_209 = arith.constant 0 : i32
    %dma_start3A_210 = tpu.memref_slice %arg5[%dma_start3A_205, %mul3A_2, %dma_start3A_209] : memref<4x1024x768xf32, #tpu.memory_space<hbm>> -> memref<1x32x768xf32, #tpu.memory_space<hbm>>
    %dma_start3A_211 = tpu.memref_squeeze %dma_start3A_210 : memref<1x32x768xf32, #tpu.memory_space<hbm>> -> memref<32x768xf32, #tpu.memory_space<hbm>>
    tpu.enqueue_dma source(%arg11 : memref<32x768xf32, #tpu.memory_space<vmem>>) target(%dma_start3A_211 : memref<32x768xf32, #tpu.memory_space<hbm>>) target_semaphore(%arg19 : memref<!tpu.dma_semaphore, #tpu.memory_space<semaphore_mem>>)
    %dma_wait3A_212 = arith.constant 0 : i32
    %dma_wait3A_213 = arith.constant 0 : i32
    %dma_wait3A_214 = tpu.memref_slice %arg5[%dma_wait3A_212, %mul3A_2, %dma_wait3A_213] : memref<4x1024x768xf32, #tpu.memory_space<hbm>> -> memref<1x32x768xf32, #tpu.memory_space<hbm>>
    %dma_wait3A_215 = tpu.memref_squeeze %dma_wait3A_214 : memref<1x32x768xf32, #tpu.memory_space<hbm>> -> memref<32x768xf32, #tpu.memory_space<hbm>>
    %dma_wait3A_216 = arith.constant 0 : i32
    %dma_wait3A_217 = tpu.memref_slice %arg5[%dma_wait3A_212, %mul3A_2, %dma_wait3A_216] : memref<4x1024x768xf32, #tpu.memory_space<hbm>> -> memref<1x32x768xf32, #tpu.memory_space<hbm>>
    %dma_wait3A_218 = tpu.memref_squeeze %dma_wait3A_217 : memref<1x32x768xf32, #tpu.memory_space<hbm>> -> memref<32x768xf32, #tpu.memory_space<hbm>>
    tpu.wait_dma2 semaphore(%arg16 : memref<!tpu.dma_semaphore, #tpu.memory_space<semaphore_mem>>) src(%arg8 : memref<32x768xf32, #tpu.memory_space<vmem>>) dst(%dma_wait3A_218 : memref<32x768xf32, #tpu.memory_space<hbm>>)
    %dma_wait3A_219 = arith.constant 1 : i32
    %dma_wait3A_220 = arith.constant 0 : i32
    %dma_wait3A_221 = tpu.memref_slice %arg5[%dma_wait3A_219, %mul3A_2, %dma_wait3A_220] : memref<4x1024x768xf32, #tpu.memory_space<hbm>> -> memref<1x32x768xf32, #tpu.memory_space<hbm>>
    %dma_wait3A_222 = tpu.memref_squeeze %dma_wait3A_221 : memref<1x32x768xf32, #tpu.memory_space<hbm>> -> memref<32x768xf32, #tpu.memory_space<hbm>>
    %dma_wait3A_223 = arith.constant 0 : i32
    %dma_wait3A_224 = tpu.memref_slice %arg5[%dma_wait3A_219, %mul3A_2, %dma_wait3A_223] : memref<4x1024x768xf32, #tpu.memory_space<hbm>> -> memref<1x32x768xf32, #tpu.memory_space<hbm>>
    %dma_wait3A_225 = tpu.memref_squeeze %dma_wait3A_224 : memref<1x32x768xf32, #tpu.memory_space<hbm>> -> memref<32x768xf32, #tpu.memory_space<hbm>>
    tpu.wait_dma2 semaphore(%arg17 : memref<!tpu.dma_semaphore, #tpu.memory_space<semaphore_mem>>) src(%arg9 : memref<32x768xf32, #tpu.memory_space<vmem>>) dst(%dma_wait3A_225 : memref<32x768xf32, #tpu.memory_space<hbm>>)
    %dma_wait3A_226 = arith.constant 2 : i32
    %dma_wait3A_227 = arith.constant 0 : i32
    %dma_wait3A_228 = tpu.memref_slice %arg5[%dma_wait3A_226, %mul3A_2, %dma_wait3A_227] : memref<4x1024x768xf32, #tpu.memory_space<hbm>> -> memref<1x32x768xf32, #tpu.memory_space<hbm>>
    %dma_wait3A_229 = tpu.memref_squeeze %dma_wait3A_228 : memref<1x32x768xf32, #tpu.memory_space<hbm>> -> memref<32x768xf32, #tpu.memory_space<hbm>>
    %dma_wait3A_230 = arith.constant 0 : i32
    %dma_wait3A_231 = tpu.memref_slice %arg5[%dma_wait3A_226, %mul3A_2, %dma_wait3A_230] : memref<4x1024x768xf32, #tpu.memory_space<hbm>> -> memref<1x32x768xf32, #tpu.memory_space<hbm>>
    %dma_wait3A_232 = tpu.memref_squeeze %dma_wait3A_231 : memref<1x32x768xf32, #tpu.memory_space<hbm>> -> memref<32x768xf32, #tpu.memory_space<hbm>>
    tpu.wait_dma2 semaphore(%arg18 : memref<!tpu.dma_semaphore, #tpu.memory_space<semaphore_mem>>) src(%arg10 : memref<32x768xf32, #tpu.memory_space<vmem>>) dst(%dma_wait3A_232 : memref<32x768xf32, #tpu.memory_space<hbm>>)
    %dma_wait3A_233 = arith.constant 3 : i32
    %dma_wait3A_234 = arith.constant 0 : i32
    %dma_wait3A_235 = tpu.memref_slice %arg5[%dma_wait3A_233, %mul3A_2, %dma_wait3A_234] : memref<4x1024x768xf32, #tpu.memory_space<hbm>> -> memref<1x32x768xf32, #tpu.memory_space<hbm>>
    %dma_wait3A_236 = tpu.memref_squeeze %dma_wait3A_235 : memref<1x32x768xf32, #tpu.memory_space<hbm>> -> memref<32x768xf32, #tpu.memory_space<hbm>>
    %dma_wait3A_237 = arith.constant 0 : i32
    %dma_wait3A_238 = tpu.memref_slice %arg5[%dma_wait3A_233, %mul3A_2, %dma_wait3A_237] : memref<4x1024x768xf32, #tpu.memory_space<hbm>> -> memref<1x32x768xf32, #tpu.memory_space<hbm>>
    %dma_wait3A_239 = tpu.memref_squeeze %dma_wait3A_238 : memref<1x32x768xf32, #tpu.memory_space<hbm>> -> memref<32x768xf32, #tpu.memory_space<hbm>>
    tpu.wait_dma2 semaphore(%arg19 : memref<!tpu.dma_semaphore, #tpu.memory_space<semaphore_mem>>) src(%arg11 : memref<32x768xf32, #tpu.memory_space<vmem>>) dst(%dma_wait3A_239 : memref<32x768xf32, #tpu.memory_space<hbm>>)
    return
  }
}

</mosaic_0001>

<sc_bundles>
// kernel: kernel.3.cloned.1.call-start
scs
__scs_entry_jumppad:
0x0: {  	(pc) =	sbr.rel $0x88, $3  }
0x1: {  	(tag) =	ssettag $0x0;
	lr =	simm.s32 $0x1  }
0x2: {  	[smem:$0x3F9E] =	sst lr;
	_ =	strace $0xD0000000  }
0x3: {  	_ = 	snop  }
0x4: {  	_ = 	snop  }
0x5: {  	_ = 	snop  }
0x6: {  	_ = 	snop  }
0x7: {  	_ = 	snop  }
__scs_overlays_trampoline_lowered:
0x8: {  	[smem:$0x3FAD] =	sst s0  }
0x9: {  	[smem:$0x3FAE] =	sst s1  }
0xa: {  	[smem:$0x3FAF] =	sst s2  }
0xb: {  	[smem:$0x3FB0] =	sst s3  }
0xc: {  	[smem:$0x3FB1] =	sst s4  }
0xd: {  	[smem:$0x3FB2] =	sst s5  }
0xe: {  	[smem:$0x3FB3] =	sst s6  }
0xf: {  	[smem:$0x3FB4] =	sst s7  }
0x10: {  	[smem:$0x3FB5] =	sst s8  }
0x11: {  	[smem:$0x3FB6] =	sst s9;
	s0 =	simm.s32 @!p0 $0x0  }
0x12: {  	s1 =	sld [smem:$0x3F9C];
	s0 =	simm.s32 @p0 $0x1  }
0x13: {  	[smem:$0x3FB7] =	sst s0;
	s0 =	simm.s32 @!p1 $0x0  }
0x14: {  	s2 =	sld [smem:$0x3F9B];
	s0 =	simm.s32 @p1 $0x1  }
0x15: {  	[smem:$0x3FB8] =	sst s0;
	s0 =	simm.s32 @!p2 $0x0  }
0x16: {  	s3 =	sld [smem:$0x3FDB];
	s0 =	simm.s32 @p2 $0x1  }
0x17: {  	s4 =	simm.s32 $0x1BF5;
	[smem:$0x3FBA] =	sst s0  }
0x18: {  	s0 =	sld [smem:$0x3F9D];
	_ =	swait.ge [sflag:s4], $0x0  }
0x19: {  	s7 =	sld [smem:$0x3F9E]  }
0x1a: {  	s8 =	sadd.s32 $0xFFFFE003, lr  }
0x1b: {  	s9 =	sadd.s32 $0xFFFFFEF7, lr;
	s5 =	simm.s32 $0xFFFFFFFF;
	p2 =	slt.u32 s8, $0xFFFFF086  }
0x1c: {  	p1 =	slt.u32 s9, $0xF7A;
	s5 =	simm.s32 @!p2 $0x0  }
0x1d: {  	s5 =	simm.s32 @p1 $0x1;
	p0 =	seq.s32 s7, s2  }
0x1e: {  	s7 =	smul.u32 @!p0 $0xF7A, s2;
	p2 =	seq.s32 @!p0 s5, $0x0  }
0x1f: {  	s9 =	smul.u32 $0xF7A, s1;
	s8 =	simm.s32 @!p0 $0x1BF5;
	p2 =	por !p2, p0  }
0x20: {  	[sflag:s8] =	ssyncset.s32 @!p0 $0xFFFFF086;
	s6 =	sadd.s32 @!p0 s3, s7;
	s7 =	simm.s32 @!p0 $0x108  }
0x21: {  	s3 =	sadd.s32 s3, s9;
	s6 =	sadd.s32 @!p0 $0x88, s6;
	s7 =	simm.s32 @p2 $0x1082  }
0x22: {  	[simem:s7], [sflag:s8] =	dma.local @!p0 [hbm:s6], $0xF7A  }
0x23: {  	s9 =	sor.u32 $0xD0000000, s2;
	s6 =	simm.s32 $0x108;
	_ =	swait.ge @!p0 [sflag:s8], $0x0  }
0x24: {  	s3 =	sadd.s32 $0x88, s3;
	s6 =	simm.s32 @!p1 $0x1082;
	[sflag:s4] =	ssyncset.s32 $0xFFFFF086  }
0x25: {  	[simem:s6], [sflag:s4] =	dma.local [hbm:s3], $0xF7A  }
0x26: {  	[smem:$0x3F9E] =	sst s1;
	(tag) =	ssettag s2;
	_ =	strace s9  }
0x27: {  	s1 =	sld [smem:$0x3FAE]  }
0x28: {  	s2 =	sld [smem:$0x3FAF]  }
0x29: {  	s4 =	sld [smem:$0x3FB1]  }
0x2a: {  	p0 =	seq.s32 s5, $0x0;
	s5 =	sld [smem:$0x3FB2]  }
0x2b: {  	s6 =	sld [smem:$0x3FB3]  }
0x2c: {  	s7 =	sld [smem:$0x3FB4]  }
0x2d: {  	s3 =	simm.s32 $0x108;
	s8 =	sld [smem:$0x3FB5]  }
0x2e: {  	s3 =	simm.s32 @!p0 $0x1082;
	s9 =	sld [smem:$0x3FB6]  }
0x2f: {  	lr =	sadd.s32 s0, s3;
	s0 =	sld [smem:$0x3FAD]  }
0x30: {  	s3 =	sld [smem:$0x3FB0]  }
0x31: {  	[smem:$0x3FB9] =	sst s10  }
0x32: {  	s10 =	sld [smem:$0x3FB7];
	_ =	sdelay $0x3  }
0x33: {  	p0 =	seq.s32 s10, $0x1;
	s10 =	sld [smem:$0x3FB9];
	_ =	sdelay $0x3  }
0x34: {  	[smem:$0x3FB9] =	sst s10  }
0x35: {  	s10 =	sld [smem:$0x3FB8];
	_ =	sdelay $0x3  }
0x36: {  	p1 =	seq.s32 s10, $0x1;
	s10 =	sld [smem:$0x3FB9];
	_ =	sdelay $0x3  }
0x37: {  	[smem:$0x3FB9] =	sst s10  }
0x38: {  	s10 =	sld [smem:$0x3FBA]  }
0x39: {  	_ = 	snop;
	(pc) =	sbr.ind lr, $3  }
0x3a: {  	_ = 	snop  }
0x3b: {  	_ = 	snop  }
0x3c: {  	p2 =	seq.s32 s10, $0x1;
	s10 =	sld [smem:$0x3FB9]  }
0x3d: {  	_ =	shalt  }
0x3e: {  	_ =	shalt  }
0x3f: {  	_ =	shalt  }
0x40: {  	_ =	shalt  }
0x41: {  	_ =	shalt  }
0x42: {  	_ =	shalt  }
0x43: {  	_ =	shalt  }
0x44: {  	_ =	shalt  }
0x45: {  	_ =	shalt  }
0x46: {  	_ =	shalt  }
0x47: {  	_ =	shalt  }
0x48: {  	_ =	shalt  }
0x49: {  	_ =	shalt  }
0x4a: {  	_ =	shalt  }
0x4b: {  	_ =	shalt  }
0x4c: {  	_ =	shalt  }
0x4d: {  	_ =	shalt  }
0x4e: {  	_ =	shalt  }
0x4f: {  	_ =	shalt  }
0x50: {  	_ =	shalt  }
0x51: {  	_ =	shalt  }
0x52: {  	_ =	shalt  }
0x53: {  	_ =	shalt  }
0x54: {  	_ =	shalt  }
0x55: {  	_ =	shalt  }
0x56: {  	_ =	shalt  }
0x57: {  	_ =	shalt  }
0x58: {  	_ =	shalt  }
0x59: {  	_ =	shalt  }
0x5a: {  	_ =	shalt  }
0x5b: {  	_ =	shalt  }
0x5c: {  	_ =	shalt  }
0x5d: {  	_ =	shalt  }
0x5e: {  	_ =	shalt  }
0x5f: {  	_ =	shalt  }
0x60: {  	_ =	shalt  }
0x61: {  	_ =	shalt  }
0x62: {  	_ =	shalt  }
0x63: {  	_ =	shalt  }
0x64: {  	_ =	shalt  }
0x65: {  	_ =	shalt  }
0x66: {  	_ =	shalt  }
0x67: {  	_ =	shalt  }
0x68: {  	_ =	shalt  }
0x69: {  	_ =	shalt  }
0x6a: {  	_ =	shalt  }
0x6b: {  	_ =	shalt  }
0x6c: {  	_ =	shalt  }
0x6d: {  	_ =	shalt  }
0x6e: {  	_ =	shalt  }
0x6f: {  	_ =	shalt  }
0x70: {  	_ =	shalt  }
0x71: {  	_ =	shalt  }
0x72: {  	_ =	shalt  }
0x73: {  	_ =	shalt  }
0x74: {  	_ =	shalt  }
0x75: {  	_ =	shalt  }
0x76: {  	_ =	shalt  }
0x77: {  	_ =	shalt  }
0x78: {  	_ =	shalt  }
0x79: {  	_ =	shalt  }
0x7a: {  	_ =	shalt  }
0x7b: {  	_ =	shalt  }
0x7c: {  	_ =	shalt  }
0x7d: {  	_ =	shalt  }
0x7e: {  	_ =	shalt  }
0x7f: {  	_ =	shalt  }
0x80: {  	_ =	shalt  }
0x81: {  	_ =	shalt  }
0x82: {  	_ =	shalt  }
0x83: {  	_ =	shalt  }
0x84: {  	_ =	shalt  }
0x85: {  	_ =	shalt  }
0x86: {  	_ =	shalt  }
0x87: {  	_ =	shalt  }
.Lfunc_end0:
.L_simem_size_0:
called_computation_lowered:
.L_overlay_start_0:
0x88: {  	s2 =	sld [smem:$0x3FD9]  }
0x89: {  	s3 =	sld [smem:$0x3FFE];
	_ =	sdelay $0x1  }
0x8a: {  	s1 =	srdreg.scid  }
0x8b: {  	s0 =	sand.u32 $0x1, s1  }
0x8c: {  	s18 =	sshll.u32 s0, $0xA;
	s2 =	sadd.s32 s3, s2  }
0x8d: {  	s2 =	sadd.s32 s2, s18  }
0x8e: {  	[smem:$0x3FC5] =	sst s2  }
0x8f: {  	_ = 	snop  }
0x90: {  	s2 =	sld [smem:$0x3FC9]  }
0x91: {  	s19 =	sld [smem:$0x3FC8]  }
0x92: {  	s4 =	sld [smem:$0x3FC7]  }
0x93: {  	s5 =	sld [smem:$0x3FD0];
	(tm) =	ssettm $0x1  }
0x94: {  	s6 =	sld [smem:$0x3FFB];
	_ =	sdelay $0x3  }
0x95: {  	_ =	strace s6  }
0x96: {  	s6 =	sld [smem:$0x3FFC];
	_ =	sdelay $0x3  }
0x97: {  	_ =	strace s6  }
0x98: {  	s6 =	sld [smem:$0x3FFD];
	_ =	sdelay $0x3  }
0x99: {  	_ =	strace s6  }
0x9a: {  	_ =	strace $0x8FFFFFFF  }
0x9b: {  	s20 =	sld [smem:$0x3FDB];
	_ =	sdelay $0x1  }
0x9c: {  	s7 =	simm.s32 $_scs_section_size  }
0x9d: {  	s8 =	simm.s32 $_size__tile_overlayer_lowered;
	s9 =	simm.s32 $_tile_overlayer_lowered  }
0x9e: {  	s23 =	simm.s32 $0x1BFF;
	s22 =	sshll.u32 s9, $0x1;
	s6 =	sadd.s32 s7, s20  }
0x9f: {  	s10 =	simm.s32 $0x0;
	s21 =	sshll.u32 s8, $0x1;
	s8 =	sadd.s32 s22, s6  }
0xa0: {  	[timem:s10], [sflag:s23] =	dma.local [hbm:s8], s21  }
0xa1: {  	_ =	swait.ge [sflag:s23], s21  }
0xa2: {  	s7 =	ssub.s32 $0x0, s21;
	[sflag:s23] =	ssyncset.done $0x0  }
0xa3: {  	[sflag:s23] =	ssyncadd.s32 s7;
	_ =	sdelay $0x1  }
0xa4: {  	s24 =	simm.s32 $0x1B8B  }
0xa5: {  	_ =	swait.ge [sflag:s24], $0x1  }
0xa6: {  	[sflag:s24] =	ssyncset.done $0x0  }
0xa7: {  	s25 =	simm.s32 $0x1B8E;
	[sflag:s24] =	ssyncadd.s32 $0xFFFFFFFF  }
0xa8: {  	s26 =	simm.s32 $execute0_lowered;
	[smem:$0x3FD2] =	sst s25  }
0xa9: {  	s7 =	sshll.u32 s26, $0x1;
	_ =	strace $0x80000046;
	[dreg:$0x1] =	wrdreg $0xFFFFFFFF  }
0xaa: {  	s28 =	simm.s32 $_size_execute0_lowered;
	s6 =	sadd.s32 s6, s7;
	[dreg:$0x0] =	wrdreg $0x0  }
0xab: {  	s7 =	sshll.u32 s28, $0x1;
	[dreg:$0x2] =	wrdreg s6  }
0xac: {  	[dreg:$0x3] =	wrdreg s7  }
0xad: {  	[dreg:$0x4] =	wrdreg $0xC0  }
0xae: {  	_ =	task [dreg:s10], $0x5FFFF  }
0xaf: {  	[dreg:$0x1] =	wrdreg $0xFFFFFFFF  }
0xb0: {  	[dreg:$0x0] =	wrdreg $0x60  }
0xb1: {  	[dreg:$0x2] =	wrdreg s2  }
0xb2: {  	[dreg:$0x3] =	wrdreg s19  }
0xb3: {  	[dreg:$0x4] =	wrdreg s4  }
0xb4: {  	[dreg:$0x5] =	wrdreg s5  }
0xb5: {  	[dreg:$0x6] =	wrdreg $0x9  }
0xb6: {  	_ =	task.clear_ibuf [dreg:s10], $0x7FFFF;
	_ =	strace $0x90000046  }
0xb7: {  	s29 =	simm.s32 $0x9;
	_ =	strace $0x80000048  }
0xb8: {  	_ =	swait.ge [sflag:s29], $0x1  }
0xb9: {  	[sflag:s29] =	ssyncadd.s32 $0xFFFFFFFF  }
0xba: {  	_ =	strace $0x90000048  }
0xbb: {  	_ =	sfence  }
0xbc: {  	s30 =	sld [smem:$0x0];
	_ =	sdelay $0x2  }
0xbd: {  	s31 =	sshll.u32 s1, $0xD;
	s1 =	sshrl.u32 s1, $0x2  }
0xbe: {  	s3 =	sand.u32 $0x4000, s31;
	s1 =	sadd.s32 s1, s30  }
0xbf: {  	s0 =	sor.u32 s3, s0;
	s1 =	sshll.u32 s1, $0x11  }
0xc0: {  	s0 =	sor.u32 s1, s0  }
0xc1: {  	s0 =	sadd.s32 $0x8F2B, s0  }
0xc2: {  	[sflag:s0] =	ssyncadd.remote.s32 $0x1  }
0xc3: {  	_ =	sfence.sel $0xFFFF  }
0xc4: {  	[dreg:$0x0] =	wrdreg $0xFFFFFFFF;
	(pc) =	sbr.abs _section_cstart, $3  }
0xc5: {  	[dreg:$0x1] =	wrdreg $0xFFFFFFFF  }
0xc6: {  	_ =	task.clear_ibuf [dreg:s10], $0x2FFFF;
	_ =	strace $0x9FFFFFFF  }
0xc7: {  	(tm) =	ssettm $0x7FFFFFFF  }
tec
execute0_lowered:
.L_overlay_start_1:
0x0: {  	(tag) =	ssettag $0x1  }
0x1: {  	s0 =	rddreg [dreg:$0x0]  }
0x2: {  	s2 =	srdreg.scid;
	s1 =	rddreg [dreg:$0x1]  }
0x3: {  	s3 =	stileid.u32;
	s5 =	rddreg [dreg:$0x2]  }
0x4: {  	s6 =	rddreg [dreg:$0x3];
	s19 =	simm.s32 $0x9;
	s16 =	simm.s32 $0xA  }
0x5: {  	s17 =	simm.s32 $0xC200;
	s18 =	simm.s32 $0xB;
	s21 =	simm.s32 $0x12200  }
0x6: {  	s28 =	simm.s32 $0x4;
	s29 =	simm.s32 $0x5;
	s2 =	sand.u32 $0x1, s2  }
0x7: {  	s30 =	simm.s32 $0x6;
	s3 =	sshll.u32 s3, $0x6;
	s4 =	sshll.u32 s2, $0x5  }
0x8: {  	s31 =	simm.s32 $0x7;
	s2 =	ssub.s32 $0x2, s2;
	s4 =	sor.u32 s4, s3  }
0x9: {  	s3 =	simm.s32 $0x0;
	s10 =	sshrl.u32 s2, $0x1;
	s7 =	sshll.u32 s4, $0x2  }
0xa: {  	[smem:$0x7FF] =	sst s3;
	s8 =	sand.u32 $0x60, s4;
	s11 =	sshrl.u32 s4, $0x3  }
0xb: {  	s2 =	ssub.s32 s2, s10;
	s10 =	sadd.s32 $0x200, s1;
	s9 =	sand.u32 $0xE00, s7  }
0xc: {  	_ =	strace $0x80000047;
	s7 =	sor.u32 s8, s7;
	s22 =	smul.u32 $0x1800, s11  }
0xd: {  	s15 =	smax.u32 s2, $0x1;
	s2 =	simm.s32 $0x1;
	s9 =	sor.u32 s8, s9  }
0xe: {  	s7 =	sshrl.u32 s7, $0x3;
	s8 =	sadd.s32 $0x100, s1;
	s9 =	sshrl.u32 s9, $0x3  }
0xf: {  	s7 =	sor.u32 $0x30, s7;
	s11 =	sshrl.u32 s22, $0x3;
	s22 =	simm.s32 $0x8  }
0x10: {  	s4 =	sadd.s32 s0, s9;
	s0 =	sadd.s32 s0, s7;
	s24 =	sadd.s32 s5, s11  }
0x11: {  	s5 =	simm.s32 $0x0;
	s9 =	sadd.s32 $0x10, s4;
	[dreg:$0x7] =	wrdreg s0  }
0x12: {  	s23 =	sadd.s32 $0x20, s4;
	[dreg:$0x8] =	wrdreg s24;
	s0 =	simm.s32 $0xD  }
0x13: {  	s24 =	simm.s32 $0x2;
	[dreg:$0x5] =	wrdreg s9;
	s9 =	sadd.s32 s6, s11  }
0x14: {  	v2 =	vlaneseq.u32;
	[dreg:$0x6] =	wrdreg s23;
	s23 =	simm.s32 $0x3;
	s25 =	sadd.s32 $0x18000, s9  }
0x15: {  	vm0 =	vmmov $0xffff;
	v1 =	vshrl.u32 v2, $0x3;
	s26 =	sadd.s32 $0x30000, s9;
	s14 =	sadd.s32 $0x48000, s9;
	[dreg:$0x9] =	wrdreg s25  }
0x16: {  	v0 =	vand.u32 $0x7, v2;
	v2 =	vor.u32 $0x8, v2;
	v1 =	vmul.u32 $0x8, v1;
	[dreg:$0xa] =	wrdreg s26;
	s25 =	simm.s32 $0xC;
	s26 =	simm.s32 $0x18200  }
.LBB2_1:
0x17: {  	[tilespmem:s3], [sflag:$0x9] =	stream.linear.gather [hbm4b:s4+s3], $0x20, $0x38;
	[tilespmem:$0x1E200] =	vst v63  }
0x18: {  	s6 =	rddreg [dreg:$0x5];
	s7 =	simm.s32 $0x80  }
0x19: {  	[tilespmem:s7], [sflag:$0xA] =	stream.linear.gather [hbm4b:s6+s3], $0x20, $0x38;
	[tilespmem:$0x1E200] =	vst v63  }
0x1a: {  	s13 =	rddreg [dreg:$0x6];
	s20 =	simm.s32 $0x100  }
0x1b: {  	[tilespmem:s20], [sflag:$0xB] =	stream.linear.gather [hbm4b:s13+s3], $0x20, $0x38;
	[tilespmem:$0x1E200] =	vst v63  }
0x1c: {  	s11 =	rddreg [dreg:$0x7];
	s12 =	simm.s32 $0x180  }
0x1d: {  	[tilespmem:s12], [sflag:$0xC] =	stream.linear.gather [hbm4b:s11+s3], $0x20, $0x38;
	[tilespmem:$0x1E200] =	vst v63  }
0x1e: {  	_ =	swait.ge [sflag:s19], $0x20  }
0x1f: {  	[sflag:s19] =	ssyncset.done $0x0  }
0x20: {  	[sflag:s19] =	ssyncadd.s32 $0xFFFFFFE0  }
0x21: {  	v3 =	vld [tilespmem:$0x0];
	_ =	sdelay $0x4  }
0x22: {  	v4 =	vshrl.u32 v3, $0x3  }
0x23: {  	v4 =	vmul.u32 $0x30, v4  }
0x24: {  	v3 =	vand.u32 $0x7, v3  }
0x25: {  	v3 =	vor.u32 v3, v4  }
0x26: {  	v4 =	vperm.xlane v3, v0;
	_ =	sdelay $0x1  }
0x27: {  	v4 =	vadd.s32 v1, v4;
	_ =	sdelay $0x3  }
0x28: {  	s13 =	simm.s32 $0x6200;
	v3 =	vperm.xlane v3, v2  }
0x29: {  	[tilespmem:s13], [sflag:$0x1] =	stream.indirect_vreg.gather [hbm4b:s1+s3], $0x80, v4, vm0, $0xb8;
	[tilespmem:$0x1E200] =	vst v63  }
0x2a: {  	s20 =	simm.s32 $0x6A00;
	v3 =	vadd.s32 v1, v3  }
0x2b: {  	[tilespmem:s20], [sflag:$0x1] =	stream.indirect_vreg.gather [hbm4b:s8+s3], $0x80, v4, vm0, $0xb8;
	[tilespmem:$0x1E200] =	vst v63  }
0x2c: {  	s7 =	simm.s32 $0x7200  }
0x2d: {  	[tilespmem:s7], [sflag:$0x1] =	stream.indirect_vreg.gather [hbm4b:s10+s3], $0x80, v4, vm0, $0xb8;
	[tilespmem:$0x1E200] =	vst v63  }
0x2e: {  	s11 =	simm.s32 $0x7A00  }
0x2f: {  	[tilespmem:s11], [sflag:$0x1] =	stream.indirect_vreg.gather [hbm4b:s1+s3], $0x80, v3, vm0, $0xb8;
	[tilespmem:$0x1E200] =	vst v63  }
0x30: {  	s12 =	simm.s32 $0x8200  }
0x31: {  	[tilespmem:s12], [sflag:$0x1] =	stream.indirect_vreg.gather [hbm4b:s8+s3], $0x80, v3, vm0, $0xb8;
	[tilespmem:$0x1E200] =	vst v63  }
0x32: {  	s13 =	simm.s32 $0x8A00  }
0x33: {  	[tilespmem:s13], [sflag:$0x1] =	stream.indirect_vreg.gather [hbm4b:s10+s3], $0x80, v3, vm0, $0xb8;
	[tilespmem:$0x1E200] =	vst v63  }
0x34: {  	v3 =	vld [tilespmem:$0x10];
	_ =	sdelay $0x4  }
0x35: {  	v4 =	vshrl.u32 v3, $0x3  }
0x36: {  	v4 =	vmul.u32 $0x30, v4  }
0x37: {  	v3 =	vand.u32 $0x7, v3  }
0x38: {  	v3 =	vor.u32 v3, v4  }
0x39: {  	v4 =	vperm.xlane v3, v0;
	_ =	sdelay $0x1  }
0x3a: {  	v4 =	vadd.s32 v1, v4;
	_ =	sdelay $0x3  }
0x3b: {  	s20 =	simm.s32 $0x9200;
	v3 =	vperm.xlane v3, v2  }
0x3c: {  	[tilespmem:s20], [sflag:$0x1] =	stream.indirect_vreg.gather [hbm4b:s1+s3], $0x80, v4, vm0, $0xb8;
	[tilespmem:$0x1E200] =	vst v63  }
0x3d: {  	s7 =	simm.s32 $0x9A00;
	v3 =	vadd.s32 v1, v3  }
0x3e: {  	[tilespmem:s7], [sflag:$0x1] =	stream.indirect_vreg.gather [hbm4b:s8+s3], $0x80, v4, vm0, $0xb8;
	[tilespmem:$0x1E200] =	vst v63  }
0x3f: {  	s11 =	simm.s32 $0xA200  }
0x40: {  	[tilespmem:s11], [sflag:$0x1] =	stream.indirect_vreg.gather [hbm4b:s10+s3], $0x80, v4, vm0, $0xb8;
	[tilespmem:$0x1E200] =	vst v63  }
0x41: {  	s12 =	simm.s32 $0xAA00  }
0x42: {  	[tilespmem:s12], [sflag:$0x1] =	stream.indirect_vreg.gather [hbm4b:s1+s3], $0x80, v3, vm0, $0xb8;
	[tilespmem:$0x1E200] =	vst v63  }
0x43: {  	s13 =	simm.s32 $0xB200  }
0x44: {  	[tilespmem:s13], [sflag:$0x1] =	stream.indirect_vreg.gather [hbm4b:s8+s3], $0x80, v3, vm0, $0xb8;
	[tilespmem:$0x1E200] =	vst v63  }
0x45: {  	s20 =	simm.s32 $0xBA00  }
0x46: {  	[tilespmem:s20], [sflag:$0x1] =	stream.indirect_vreg.gather [hbm4b:s10+s3], $0x80, v3, vm0, $0xb8;
	[tilespmem:$0x1E200] =	vst v63  }
0x47: {  	s7 =	rddreg [dreg:$0x8];
	s11 =	simm.s32 $0x200  }
0x48: {  	[tilespmem:s11], [sflag:$0xD] =	stream.linear.gather [hbm4b:s7+s3], $0x6000, $0x38;
	[tilespmem:$0x1E200] =	vst v63  }
0x49: {  	_ =	swait.ge [sflag:s16], $0x20  }
0x4a: {  	[sflag:s16] =	ssyncset.done $0x0  }
0x4b: {  	[sflag:s16] =	ssyncadd.s32 $0xFFFFFFE0  }
0x4c: {  	v3 =	vld [tilespmem:$0x80];
	_ =	sdelay $0x4  }
0x4d: {  	v4 =	vshrl.u32 v3, $0x3  }
0x4e: {  	v4 =	vmul.u32 $0x30, v4  }
0x4f: {  	v3 =	vand.u32 $0x7, v3  }
0x50: {  	v3 =	vor.u32 v3, v4  }
0x51: {  	v4 =	vperm.xlane v3, v0;
	_ =	sdelay $0x1  }
0x52: {  	v4 =	vadd.s32 v1, v4;
	_ =	sdelay $0x3  }
0x53: {  	v3 =	vperm.xlane v3, v2  }
0x54: {  	[tilespmem:s17], [sflag:$0x2] =	stream.indirect_vreg.gather [hbm4b:s1+s3], $0x80, v4, vm0, $0xb8;
	[tilespmem:$0x1E200] =	vst v63  }
0x55: {  	s12 =	simm.s32 $0xCA00;
	v3 =	vadd.s32 v1, v3  }
0x56: {  	[tilespmem:s12], [sflag:$0x2] =	stream.indirect_vreg.gather [hbm4b:s8+s3], $0x80, v4, vm0, $0xb8;
	[tilespmem:$0x1E200] =	vst v63  }
0x57: {  	s13 =	simm.s32 $0xD200  }
0x58: {  	[tilespmem:s13], [sflag:$0x2] =	stream.indirect_vreg.gather [hbm4b:s10+s3], $0x80, v4, vm0, $0xb8;
	[tilespmem:$0x1E200] =	vst v63  }
0x59: {  	s20 =	simm.s32 $0xDA00  }
0x5a: {  	[tilespmem:s20], [sflag:$0x2] =	stream.indirect_vreg.gather [hbm4b:s1+s3], $0x80, v3, vm0, $0xb8;
	[tilespmem:$0x1E200] =	vst v63  }
0x5b: {  	s7 =	simm.s32 $0xE200  }
0x5c: {  	[tilespmem:s7], [sflag:$0x2] =	stream.indirect_vreg.gather [hbm4b:s8+s3], $0x80, v3, vm0, $0xb8;
	[tilespmem:$0x1E200] =	vst v63  }
0x5d: {  	s11 =	simm.s32 $0xEA00  }
0x5e: {  	[tilespmem:s11], [sflag:$0x2] =	stream.indirect_vreg.gather [hbm4b:s10+s3], $0x80, v3, vm0, $0xb8;
	[tilespmem:$0x1E200] =	vst v63  }
0x5f: {  	v3 =	vld [tilespmem:$0x90];
	_ =	sdelay $0x4  }
0x60: {  	v4 =	vshrl.u32 v3, $0x3  }
0x61: {  	v4 =	vmul.u32 $0x30, v4  }
0x62: {  	v3 =	vand.u32 $0x7, v3  }
0x63: {  	v3 =	vor.u32 v3, v4  }
0x64: {  	v4 =	vperm.xlane v3, v0;
	_ =	sdelay $0x1  }
0x65: {  	v4 =	vadd.s32 v1, v4;
	_ =	sdelay $0x3  }
0x66: {  	s12 =	simm.s32 $0xF200;
	v3 =	vperm.xlane v3, v2  }
0x67: {  	[tilespmem:s12], [sflag:$0x2] =	stream.indirect_vreg.gather [hbm4b:s1+s3], $0x80, v4, vm0, $0xb8;
	[tilespmem:$0x1E200] =	vst v63  }
0x68: {  	s13 =	simm.s32 $0xFA00;
	v3 =	vadd.s32 v1, v3  }
0x69: {  	[tilespmem:s13], [sflag:$0x2] =	stream.indirect_vreg.gather [hbm4b:s8+s3], $0x80, v4, vm0, $0xb8;
	[tilespmem:$0x1E200] =	vst v63  }
0x6a: {  	s20 =	simm.s32 $0x10200;
	s12 =	smul.u32 $0xAB, s3  }
0x6b: {  	[tilespmem:s20], [sflag:$0x2] =	stream.indirect_vreg.gather [hbm4b:s10+s3], $0x80, v4, vm0, $0xb8;
	[tilespmem:$0x1E200] =	vst v63  }
0x6c: {  	s7 =	simm.s32 $0x10A00;
	s20 =	sshrl.u32 s12, $0xA  }
0x6d: {  	[tilespmem:s7], [sflag:$0x2] =	stream.indirect_vreg.gather [hbm4b:s1+s3], $0x80, v3, vm0, $0xb8;
	[tilespmem:$0x1E200] =	vst v63  }
0x6e: {  	s11 =	simm.s32 $0x11200;
	s7 =	sand.u32 $0x3F, s20  }
0x6f: {  	[tilespmem:s11], [sflag:$0x2] =	stream.indirect_vreg.gather [hbm4b:s8+s3], $0x80, v3, vm0, $0xb8;
	[tilespmem:$0x1E200] =	vst v63  }
0x70: {  	s13 =	simm.s32 $0x11A00;
	s11 =	smul.u32 $0x6, s7  }
0x71: {  	[tilespmem:s13], [sflag:$0x2] =	stream.indirect_vreg.gather [hbm4b:s10+s3], $0x80, v3, vm0, $0xb8;
	[tilespmem:$0x1E200] =	vst v63  }
0x72: {  	_ =	swait.ge [sflag:s2], $0x6000  }
0x73: {  	s7 =	sshrl.u32 s7, $0x3;
	s11 =	ssub.s32 $0x0, s11;
	[sflag:s2] =	ssyncset.done $0x0  }
0x74: {  	s7 =	smul.u32 $0x1800, s7;
	s11 =	sand.u32 $0xFF, s11;
	[sflag:s2] =	ssyncadd.s32 $0xFFFFA000  }
0x75: {  	s6 =	sshrl.u32 s12, $0x3;
	s11 =	sshll.u32 s11, $0xA;
	_ =	swait.ge [sflag:s0], $0x6000  }
0x76: {  	s6 =	sand.u32 $0x380, s6;
	s7 =	sadd.s32 s11, s7;
	[sflag:s0] =	ssyncset.done $0x0  }
0x77: {  	s6 =	sor.u32 s6, s7;
	[sflag:s0] =	ssyncadd.s32 $0xFFFFA000  }
0x78: {  	v7 =	vld [tilespmem:s6+$0x270]  }
0x79: {  	v5 =	vld [tilespmem:s6+$0x200]  }
0x7a: {  	v6 =	vld [tilespmem:s6+$0x210]  }
0x7b: {  	v4 =	vld [tilespmem:s6+$0x220]  }
0x7c: {  	s7 =	simm.s32 $0x1;
	v3 =	vld [tilespmem:s6+$0x230]  }
0x7d: {  	s20 =	simm.s32 $0x2;
	s11 =	smul.u32 $0xAB, s7;
	[tilespmem:s6+$0x6270] =	vst.add.f32.msk $0xffff, v7  }
.LBB2_2:
0x7e: {  	p0 =	sne.s32 s20, $0xBF;
	v7 =	vld [tilespmem:s6+$0x240]  }
0x7f: {  	s12 =	sshrl.u32 s11, $0xA;
	v8 =	vld [tilespmem:s6+$0x250]  }
0x80: {  	s12 =	sand.u32 $0x3F, s12;
	v9 =	vld [tilespmem:s6+$0x260]  }
0x81: {  	s13 =	smul.u32 $0x6, s12;
	[tilespmem:s6+$0x6200] =	vst.add.f32.msk $0xffff, v5  }
0x82: {  	[tilespmem:s6+$0x6210] =	vst.add.f32.msk $0xffff, v6  }
0x83: {  	s12 =	sshrl.u32 s12, $0x3;
	s13 =	ssub.s32 s7, s13;
	[tilespmem:s6+$0x6220] =	vst.add.f32.msk $0xffff, v4;
	s7 =	smov.u32 s20  }
0x84: {  	s12 =	smul.u32 $0x1800, s12;
	s13 =	sand.u32 $0xFF, s13;
	[tilespmem:s6+$0x6230] =	vst.add.f32.msk $0xffff, v3  }
0x85: {  	s11 =	sshrl.u32 s11, $0x3;
	s13 =	sshll.u32 s13, $0xA;
	[tilespmem:s6+$0x6240] =	vst.add.f32.msk $0xffff, v7  }
0x86: {  	s11 =	sand.u32 $0x380, s11;
	s12 =	sadd.s32 s13, s12;
	[tilespmem:s6+$0x6250] =	vst.add.f32.msk $0xffff, v8  }
0x87: {  	[tilespmem:s6+$0x6260] =	vst.add.f32.msk $0xffff, v9;
	s6 =	sor.u32 s11, s12  }
0x88: {  	v7 =	vld [tilespmem:s6+$0x270]  }
.Ltmp0:
0x89: {  	v5 =	vld [tilespmem:s6+$0x200];
	(pc) =	sbr.rel @p0 .LBB2_2-.Ltmp0, $4  }
0x8a: {  	v6 =	vld [tilespmem:s6+$0x210]  }
0x8b: {  	v4 =	vld [tilespmem:s6+$0x220]  }
0x8c: {  	v3 =	vld [tilespmem:s6+$0x230]  }
0x8d: {  	s20 =	sadd.s32 $0x1, s20;
	s11 =	smul.u32 $0xAB, s7;
	[tilespmem:s6+$0x6270] =	vst.add.f32.msk $0xffff, v7  }
0x8e: {  	v7 =	vld [tilespmem:s6+$0x240]  }
0x8f: {  	v8 =	vld [tilespmem:s6+$0x250];
	s12 =	sshrl.u32 s11, $0xA  }
0x90: {  	v9 =	vld [tilespmem:s6+$0x260];
	s12 =	sand.u32 $0x3F, s12  }
0x91: {  	[tilespmem:s6+$0x6200] =	vst.add.f32.msk $0xffff, v5;
	s13 =	smul.u32 $0x6, s12  }
0x92: {  	[tilespmem:s6+$0x6210] =	vst.add.f32.msk $0xffff, v6  }
0x93: {  	[tilespmem:s6+$0x6220] =	vst.add.f32.msk $0xffff, v4;
	s12 =	sshrl.u32 s12, $0x3;
	s7 =	ssub.s32 s7, s13  }
0x94: {  	[tilespmem:s6+$0x6230] =	vst.add.f32.msk $0xffff, v3;
	s12 =	smul.u32 $0x1800, s12;
	s7 =	sand.u32 $0xFF, s7  }
0x95: {  	s13 =	sshrl.u32 s11, $0x3;
	[tilespmem:s6+$0x6240] =	vst.add.f32.msk $0xffff, v7;
	s7 =	sshll.u32 s7, $0xA  }
0x96: {  	[tilespmem:s6+$0x6250] =	vst.add.f32.msk $0xffff, v8;
	s11 =	sand.u32 $0x380, s13;
	s7 =	sadd.s32 s7, s12  }
0x97: {  	[tilespmem:s6+$0x6260] =	vst.add.f32.msk $0xffff, v9;
	s7 =	sor.u32 s11, s7  }
0x98: {  	v3 =	vld [tilespmem:s7+$0x270]  }
0x99: {  	v4 =	vld [tilespmem:s7+$0x200]  }
0x9a: {  	v5 =	vld [tilespmem:s7+$0x210]  }
0x9b: {  	v6 =	vld [tilespmem:s7+$0x220]  }
0x9c: {  	v7 =	vld [tilespmem:s7+$0x230]  }
0x9d: {  	v8 =	vld [tilespmem:s7+$0x250]  }
0x9e: {  	v9 =	vld [tilespmem:s7+$0x260]  }
0x9f: {  	[tilespmem:s7+$0x6270] =	vst.add.f32.msk $0xffff, v3  }
0xa0: {  	v3 =	vld [tilespmem:s7+$0x240]  }
0xa1: {  	[tilespmem:s7+$0x6200] =	vst.add.f32.msk $0xffff, v4  }
0xa2: {  	[tilespmem:s7+$0x6210] =	vst.add.f32.msk $0xffff, v5  }
0xa3: {  	[tilespmem:s7+$0x6220] =	vst.add.f32.msk $0xffff, v6  }
0xa4: {  	[tilespmem:s7+$0x6230] =	vst.add.f32.msk $0xffff, v7  }
0xa5: {  	[tilespmem:s7+$0x6250] =	vst.add.f32.msk $0xffff, v8  }
0xa6: {  	[tilespmem:s7+$0x6260] =	vst.add.f32.msk $0xffff, v9  }
0xa7: {  	s20 =	simm.s32 $0x6200;
	s6 =	simm.s32 $0x0;
	[tilespmem:s7+$0x6240] =	vst.add.f32.msk $0xffff, v3  }
0xa8: {  	[hbm4b:s9+s6] =	stream.linear.scatter [tilespmem:s20], [sflag:$0x5], $0x6000, $0x38;
	[tilespmem:$0x1E200] =	vst v63  }
0xa9: {  	_ =	swait.ge [sflag:s18], $0x20  }
0xaa: {  	[sflag:s18] =	ssyncset.done $0x0  }
0xab: {  	[sflag:s18] =	ssyncadd.s32 $0xFFFFFFE0  }
0xac: {  	v3 =	vld [tilespmem:$0x100];
	_ =	sdelay $0x4  }
0xad: {  	v4 =	vshrl.u32 v3, $0x3  }
0xae: {  	v4 =	vmul.u32 $0x30, v4  }
0xaf: {  	v3 =	vand.u32 $0x7, v3  }
0xb0: {  	v3 =	vor.u32 v3, v4  }
0xb1: {  	v4 =	vperm.xlane v3, v0;
	_ =	sdelay $0x1  }
0xb2: {  	v4 =	vadd.s32 v1, v4;
	_ =	sdelay $0x3  }
0xb3: {  	v3 =	vperm.xlane v3, v2  }
0xb4: {  	[tilespmem:s21], [sflag:$0x3] =	stream.indirect_vreg.gather [hbm4b:s1+s6], $0x80, v4, vm0, $0xb8;
	[tilespmem:$0x1E200] =	vst v63  }
0xb5: {  	s11 =	simm.s32 $0x12A00;
	v3 =	vadd.s32 v1, v3  }
0xb6: {  	[tilespmem:s11], [sflag:$0x3] =	stream.indirect_vreg.gather [hbm4b:s8+s6], $0x80, v4, vm0, $0xb8;
	[tilespmem:$0x1E200] =	vst v63  }
0xb7: {  	s12 =	simm.s32 $0x13200  }
0xb8: {  	[tilespmem:s12], [sflag:$0x3] =	stream.indirect_vreg.gather [hbm4b:s10+s6], $0x80, v4, vm0, $0xb8;
	[tilespmem:$0x1E200] =	vst v63  }
0xb9: {  	s13 =	simm.s32 $0x13A00  }
0xba: {  	[tilespmem:s13], [sflag:$0x3] =	stream.indirect_vreg.gather [hbm4b:s1+s6], $0x80, v3, vm0, $0xb8;
	[tilespmem:$0x1E200] =	vst v63  }
0xbb: {  	s20 =	simm.s32 $0x14200  }
0xbc: {  	[tilespmem:s20], [sflag:$0x3] =	stream.indirect_vreg.gather [hbm4b:s8+s6], $0x80, v3, vm0, $0xb8;
	[tilespmem:$0x1E200] =	vst v63  }
0xbd: {  	s11 =	simm.s32 $0x14A00  }
0xbe: {  	[tilespmem:s11], [sflag:$0x3] =	stream.indirect_vreg.gather [hbm4b:s10+s6], $0x80, v3, vm0, $0xb8;
	[tilespmem:$0x1E200] =	vst v63  }
0xbf: {  	v3 =	vld [tilespmem:$0x110];
	_ =	sdelay $0x4  }
0xc0: {  	v4 =	vshrl.u32 v3, $0x3  }
0xc1: {  	v4 =	vmul.u32 $0x30, v4  }
0xc2: {  	v3 =	vand.u32 $0x7, v3  }
0xc3: {  	v3 =	vor.u32 v3, v4  }
0xc4: {  	v4 =	vperm.xlane v3, v0;
	_ =	sdelay $0x1  }
0xc5: {  	v4 =	vadd.s32 v1, v4;
	_ =	sdelay $0x3  }
0xc6: {  	s12 =	simm.s32 $0x15200;
	v3 =	vperm.xlane v3, v2  }
0xc7: {  	[tilespmem:s12], [sflag:$0x3] =	stream.indirect_vreg.gather [hbm4b:s1+s6], $0x80, v4, vm0, $0xb8;
	[tilespmem:$0x1E200] =	vst v63  }
0xc8: {  	s13 =	simm.s32 $0x15A00;
	v3 =	vadd.s32 v1, v3  }
0xc9: {  	[tilespmem:s13], [sflag:$0x3] =	stream.indirect_vreg.gather [hbm4b:s8+s6], $0x80, v4, vm0, $0xb8;
	[tilespmem:$0x1E200] =	vst v63  }
0xca: {  	s7 =	smul.u32 $0xAB, s6;
	s20 =	simm.s32 $0x16200  }
0xcb: {  	[tilespmem:s20], [sflag:$0x3] =	stream.indirect_vreg.gather [hbm4b:s10+s6], $0x80, v4, vm0, $0xb8;
	[tilespmem:$0x1E200] =	vst v63  }
0xcc: {  	s11 =	simm.s32 $0x16A00;
	s13 =	sshrl.u32 s7, $0xA  }
0xcd: {  	[tilespmem:s11], [sflag:$0x3] =	stream.indirect_vreg.gather [hbm4b:s1+s6], $0x80, v3, vm0, $0xb8;
	[tilespmem:$0x1E200] =	vst v63  }
0xce: {  	s12 =	simm.s32 $0x17200;
	s11 =	sand.u32 $0x3F, s13  }
0xcf: {  	[tilespmem:s12], [sflag:$0x3] =	stream.indirect_vreg.gather [hbm4b:s8+s6], $0x80, v3, vm0, $0xb8;
	[tilespmem:$0x1E200] =	vst v63  }
0xd0: {  	s20 =	simm.s32 $0x17A00;
	s12 =	smul.u32 $0x6, s11  }
0xd1: {  	[tilespmem:s20], [sflag:$0x3] =	stream.indirect_vreg.gather [hbm4b:s10+s6], $0x80, v3, vm0, $0xb8;
	[tilespmem:$0x1E200] =	vst v63  }
0xd2: {  	s11 =	sshrl.u32 s11, $0x3;
	s20 =	ssub.s32 $0x0, s12  }
0xd3: {  	s11 =	smul.u32 $0x1800, s11;
	s6 =	sand.u32 $0xFF, s20  }
0xd4: {  	s7 =	sshrl.u32 s7, $0x3;
	_ =	swait.ge [sflag:s24], $0x6000;
	s6 =	sshll.u32 s6, $0xA  }
0xd5: {  	s7 =	sand.u32 $0x380, s7;
	[sflag:s24] =	ssyncset.done $0x0;
	s6 =	sadd.s32 s6, s11  }
0xd6: {  	[sflag:s24] =	ssyncadd.s32 $0xFFFFA000;
	s6 =	sor.u32 s7, s6  }
0xd7: {  	v7 =	vld [tilespmem:s6+$0x270]  }
0xd8: {  	v5 =	vld [tilespmem:s6+$0x200]  }
0xd9: {  	v6 =	vld [tilespmem:s6+$0x210]  }
0xda: {  	v4 =	vld [tilespmem:s6+$0x220]  }
0xdb: {  	s7 =	simm.s32 $0x1;
	v3 =	vld [tilespmem:s6+$0x230]  }
0xdc: {  	s20 =	simm.s32 $0x2;
	s11 =	smul.u32 $0xAB, s7;
	[tilespmem:s6+$0xC270] =	vst.add.f32.msk $0xffff, v7  }
.LBB2_4:
0xdd: {  	p0 =	sne.s32 s20, $0xBF;
	v7 =	vld [tilespmem:s6+$0x240]  }
0xde: {  	s12 =	sshrl.u32 s11, $0xA;
	v8 =	vld [tilespmem:s6+$0x250]  }
0xdf: {  	s12 =	sand.u32 $0x3F, s12;
	v9 =	vld [tilespmem:s6+$0x260]  }
0xe0: {  	s13 =	smul.u32 $0x6, s12;
	[tilespmem:s6+$0xC200] =	vst.add.f32.msk $0xffff, v5  }
0xe1: {  	[tilespmem:s6+$0xC210] =	vst.add.f32.msk $0xffff, v6  }
0xe2: {  	s12 =	sshrl.u32 s12, $0x3;
	s13 =	ssub.s32 s7, s13;
	[tilespmem:s6+$0xC220] =	vst.add.f32.msk $0xffff, v4;
	s7 =	smov.u32 s20  }
0xe3: {  	s12 =	smul.u32 $0x1800, s12;
	s13 =	sand.u32 $0xFF, s13;
	[tilespmem:s6+$0xC230] =	vst.add.f32.msk $0xffff, v3  }
0xe4: {  	s11 =	sshrl.u32 s11, $0x3;
	s13 =	sshll.u32 s13, $0xA;
	[tilespmem:s6+$0xC240] =	vst.add.f32.msk $0xffff, v7  }
0xe5: {  	s11 =	sand.u32 $0x380, s11;
	s12 =	sadd.s32 s13, s12;
	[tilespmem:s6+$0xC250] =	vst.add.f32.msk $0xffff, v8  }
0xe6: {  	[tilespmem:s6+$0xC260] =	vst.add.f32.msk $0xffff, v9;
	s6 =	sor.u32 s11, s12  }
0xe7: {  	v7 =	vld [tilespmem:s6+$0x270]  }
.Ltmp1:
0xe8: {  	v5 =	vld [tilespmem:s6+$0x200];
	(pc) =	sbr.rel @p0 .LBB2_4-.Ltmp1, $4  }
0xe9: {  	v6 =	vld [tilespmem:s6+$0x210]  }
0xea: {  	v4 =	vld [tilespmem:s6+$0x220]  }
0xeb: {  	v3 =	vld [tilespmem:s6+$0x230]  }
0xec: {  	s20 =	sadd.s32 $0x1, s20;
	s11 =	smul.u32 $0xAB, s7;
	[tilespmem:s6+$0xC270] =	vst.add.f32.msk $0xffff, v7  }
0xed: {  	v7 =	vld [tilespmem:s6+$0x240]  }
0xee: {  	v8 =	vld [tilespmem:s6+$0x250];
	s12 =	sshrl.u32 s11, $0xA  }
0xef: {  	v9 =	vld [tilespmem:s6+$0x260];
	s12 =	sand.u32 $0x3F, s12  }
0xf0: {  	[tilespmem:s6+$0xC200] =	vst.add.f32.msk $0xffff, v5;
	s13 =	smul.u32 $0x6, s12  }
0xf1: {  	[tilespmem:s6+$0xC210] =	vst.add.f32.msk $0xffff, v6  }
0xf2: {  	[tilespmem:s6+$0xC220] =	vst.add.f32.msk $0xffff, v4;
	s12 =	sshrl.u32 s12, $0x3;
	s7 =	ssub.s32 s7, s13  }
0xf3: {  	[tilespmem:s6+$0xC230] =	vst.add.f32.msk $0xffff, v3;
	s12 =	smul.u32 $0x1800, s12;
	s7 =	sand.u32 $0xFF, s7  }
0xf4: {  	s13 =	sshrl.u32 s11, $0x3;
	[tilespmem:s6+$0xC240] =	vst.add.f32.msk $0xffff, v7;
	s7 =	sshll.u32 s7, $0xA  }
0xf5: {  	[tilespmem:s6+$0xC250] =	vst.add.f32.msk $0xffff, v8;
	s11 =	sand.u32 $0x380, s13;
	s7 =	sadd.s32 s7, s12  }
0xf6: {  	[tilespmem:s6+$0xC260] =	vst.add.f32.msk $0xffff, v9;
	s7 =	sor.u32 s11, s7  }
0xf7: {  	v3 =	vld [tilespmem:s7+$0x270]  }
0xf8: {  	v4 =	vld [tilespmem:s7+$0x200]  }
0xf9: {  	v5 =	vld [tilespmem:s7+$0x210]  }
0xfa: {  	v6 =	vld [tilespmem:s7+$0x220]  }
0xfb: {  	v7 =	vld [tilespmem:s7+$0x230]  }
0xfc: {  	v8 =	vld [tilespmem:s7+$0x250]  }
0xfd: {  	v9 =	vld [tilespmem:s7+$0x260]  }
0xfe: {  	[tilespmem:s7+$0xC270] =	vst.add.f32.msk $0xffff, v3  }
0xff: {  	v3 =	vld [tilespmem:s7+$0x240]  }
0x100: {  	[tilespmem:s7+$0xC200] =	vst.add.f32.msk $0xffff, v4  }
0x101: {  	[tilespmem:s7+$0xC210] =	vst.add.f32.msk $0xffff, v5  }
0x102: {  	[tilespmem:s7+$0xC220] =	vst.add.f32.msk $0xffff, v6  }
0x103: {  	[tilespmem:s7+$0xC230] =	vst.add.f32.msk $0xffff, v7  }
0x104: {  	[tilespmem:s7+$0xC250] =	vst.add.f32.msk $0xffff, v8  }
0x105: {  	[tilespmem:s7+$0xC260] =	vst.add.f32.msk $0xffff, v9  }
0x106: {  	s20 =	rddreg [dreg:$0x9];
	s6 =	simm.s32 $0x0;
	[tilespmem:s7+$0xC240] =	vst.add.f32.msk $0xffff, v3  }
0x107: {  	[hbm4b:s20+s6] =	stream.linear.scatter [tilespmem:s17], [sflag:$0x6], $0x6000, $0x38;
	[tilespmem:$0x1E200] =	vst v63  }
0x108: {  	_ =	swait.ge [sflag:s25], $0x20  }
0x109: {  	[sflag:s25] =	ssyncset.done $0x0  }
0x10a: {  	[sflag:s25] =	ssyncadd.s32 $0xFFFFFFE0  }
0x10b: {  	v3 =	vld [tilespmem:$0x180];
	_ =	sdelay $0x4  }
0x10c: {  	v4 =	vshrl.u32 v3, $0x3  }
0x10d: {  	v4 =	vmul.u32 $0x30, v4  }
0x10e: {  	v3 =	vand.u32 $0x7, v3  }
0x10f: {  	v3 =	vor.u32 v3, v4  }
0x110: {  	v4 =	vperm.xlane v3, v0;
	_ =	sdelay $0x1  }
0x111: {  	v4 =	vadd.s32 v1, v4;
	_ =	sdelay $0x3  }
0x112: {  	v3 =	vperm.xlane v3, v2  }
0x113: {  	[tilespmem:s26], [sflag:$0x4] =	stream.indirect_vreg.gather [hbm4b:s1+s6], $0x80, v4, vm0, $0xb8;
	[tilespmem:$0x1E200] =	vst v63  }
0x114: {  	s11 =	simm.s32 $0x18A00;
	v3 =	vadd.s32 v1, v3  }
0x115: {  	[tilespmem:s11], [sflag:$0x4] =	stream.indirect_vreg.gather [hbm4b:s8+s6], $0x80, v4, vm0, $0xb8;
	[tilespmem:$0x1E200] =	vst v63  }
0x116: {  	s12 =	simm.s32 $0x19200  }
0x117: {  	[tilespmem:s12], [sflag:$0x4] =	stream.indirect_vreg.gather [hbm4b:s10+s6], $0x80, v4, vm0, $0xb8;
	[tilespmem:$0x1E200] =	vst v63  }
0x118: {  	s13 =	simm.s32 $0x19A00  }
0x119: {  	[tilespmem:s13], [sflag:$0x4] =	stream.indirect_vreg.gather [hbm4b:s1+s6], $0x80, v3, vm0, $0xb8;
	[tilespmem:$0x1E200] =	vst v63  }
0x11a: {  	s20 =	simm.s32 $0x1A200  }
0x11b: {  	[tilespmem:s20], [sflag:$0x4] =	stream.indirect_vreg.gather [hbm4b:s8+s6], $0x80, v3, vm0, $0xb8;
	[tilespmem:$0x1E200] =	vst v63  }
0x11c: {  	s11 =	simm.s32 $0x1AA00  }
0x11d: {  	[tilespmem:s11], [sflag:$0x4] =	stream.indirect_vreg.gather [hbm4b:s10+s6], $0x80, v3, vm0, $0xb8;
	[tilespmem:$0x1E200] =	vst v63  }
0x11e: {  	v3 =	vld [tilespmem:$0x190];
	_ =	sdelay $0x4  }
0x11f: {  	v4 =	vshrl.u32 v3, $0x3  }
0x120: {  	v4 =	vmul.u32 $0x30, v4  }
0x121: {  	v3 =	vand.u32 $0x7, v3  }
0x122: {  	v3 =	vor.u32 v3, v4  }
0x123: {  	v4 =	vperm.xlane v3, v0;
	_ =	sdelay $0x1  }
0x124: {  	v4 =	vadd.s32 v1, v4;
	_ =	sdelay $0x3  }
0x125: {  	s12 =	simm.s32 $0x1B200;
	v3 =	vperm.xlane v3, v2  }
0x126: {  	[tilespmem:s12], [sflag:$0x4] =	stream.indirect_vreg.gather [hbm4b:s1+s6], $0x80, v4, vm0, $0xb8;
	[tilespmem:$0x1E200] =	vst v63  }
0x127: {  	s13 =	simm.s32 $0x1BA00;
	v3 =	vadd.s32 v1, v3  }
0x128: {  	[tilespmem:s13], [sflag:$0x4] =	stream.indirect_vreg.gather [hbm4b:s8+s6], $0x80, v4, vm0, $0xb8;
	[tilespmem:$0x1E200] =	vst v63  }
0x129: {  	s7 =	smul.u32 $0xAB, s6;
	s20 =	simm.s32 $0x1C200  }
0x12a: {  	[tilespmem:s20], [sflag:$0x4] =	stream.indirect_vreg.gather [hbm4b:s10+s6], $0x80, v4, vm0, $0xb8;
	[tilespmem:$0x1E200] =	vst v63  }
0x12b: {  	s11 =	simm.s32 $0x1CA00;
	s13 =	sshrl.u32 s7, $0xA  }
0x12c: {  	[tilespmem:s11], [sflag:$0x4] =	stream.indirect_vreg.gather [hbm4b:s1+s6], $0x80, v3, vm0, $0xb8;
	[tilespmem:$0x1E200] =	vst v63  }
0x12d: {  	s12 =	simm.s32 $0x1D200;
	s11 =	sand.u32 $0x3F, s13  }
0x12e: {  	[tilespmem:s12], [sflag:$0x4] =	stream.indirect_vreg.gather [hbm4b:s8+s6], $0x80, v3, vm0, $0xb8;
	[tilespmem:$0x1E200] =	vst v63  }
0x12f: {  	s20 =	simm.s32 $0x1DA00;
	s12 =	smul.u32 $0x6, s11  }
0x130: {  	[tilespmem:s20], [sflag:$0x4] =	stream.indirect_vreg.gather [hbm4b:s10+s6], $0x80, v3, vm0, $0xb8;
	[tilespmem:$0x1E200] =	vst v63  }
0x131: {  	s11 =	sshrl.u32 s11, $0x3;
	s20 =	ssub.s32 $0x0, s12  }
0x132: {  	s11 =	smul.u32 $0x1800, s11;
	s6 =	sand.u32 $0xFF, s20  }
0x133: {  	s7 =	sshrl.u32 s7, $0x3;
	_ =	swait.ge [sflag:s23], $0x6000;
	s6 =	sshll.u32 s6, $0xA  }
0x134: {  	s7 =	sand.u32 $0x380, s7;
	[sflag:s23] =	ssyncset.done $0x0;
	s6 =	sadd.s32 s6, s11  }
0x135: {  	[sflag:s23] =	ssyncadd.s32 $0xFFFFA000;
	s6 =	sor.u32 s7, s6  }
0x136: {  	v7 =	vld [tilespmem:s6+$0x270]  }
0x137: {  	v5 =	vld [tilespmem:s6+$0x200]  }
0x138: {  	v6 =	vld [tilespmem:s6+$0x210]  }
0x139: {  	v4 =	vld [tilespmem:s6+$0x220]  }
0x13a: {  	s7 =	simm.s32 $0x1;
	v3 =	vld [tilespmem:s6+$0x230]  }
0x13b: {  	s20 =	simm.s32 $0x2;
	s11 =	smul.u32 $0xAB, s7;
	[tilespmem:s6+$0x12270] =	vst.add.f32.msk $0xffff, v7  }
.LBB2_6:
0x13c: {  	p0 =	sne.s32 s20, $0xBF;
	v7 =	vld [tilespmem:s6+$0x240]  }
0x13d: {  	s12 =	sshrl.u32 s11, $0xA;
	v8 =	vld [tilespmem:s6+$0x250]  }
0x13e: {  	s12 =	sand.u32 $0x3F, s12;
	v9 =	vld [tilespmem:s6+$0x260]  }
0x13f: {  	s13 =	smul.u32 $0x6, s12;
	[tilespmem:s6+$0x12200] =	vst.add.f32.msk $0xffff, v5  }
0x140: {  	[tilespmem:s6+$0x12210] =	vst.add.f32.msk $0xffff, v6  }
0x141: {  	s12 =	sshrl.u32 s12, $0x3;
	s13 =	ssub.s32 s7, s13;
	[tilespmem:s6+$0x12220] =	vst.add.f32.msk $0xffff, v4;
	s7 =	smov.u32 s20  }
0x142: {  	s12 =	smul.u32 $0x1800, s12;
	s13 =	sand.u32 $0xFF, s13;
	[tilespmem:s6+$0x12230] =	vst.add.f32.msk $0xffff, v3  }
0x143: {  	s11 =	sshrl.u32 s11, $0x3;
	s13 =	sshll.u32 s13, $0xA;
	[tilespmem:s6+$0x12240] =	vst.add.f32.msk $0xffff, v7  }
0x144: {  	s11 =	sand.u32 $0x380, s11;
	s12 =	sadd.s32 s13, s12;
	[tilespmem:s6+$0x12250] =	vst.add.f32.msk $0xffff, v8  }
0x145: {  	[tilespmem:s6+$0x12260] =	vst.add.f32.msk $0xffff, v9;
	s6 =	sor.u32 s11, s12  }
0x146: {  	v7 =	vld [tilespmem:s6+$0x270]  }
.Ltmp2:
0x147: {  	v5 =	vld [tilespmem:s6+$0x200];
	(pc) =	sbr.rel @p0 .LBB2_6-.Ltmp2, $4  }
0x148: {  	v6 =	vld [tilespmem:s6+$0x210]  }
0x149: {  	v4 =	vld [tilespmem:s6+$0x220]  }
0x14a: {  	v3 =	vld [tilespmem:s6+$0x230]  }
0x14b: {  	s20 =	sadd.s32 $0x1, s20;
	s11 =	smul.u32 $0xAB, s7;
	[tilespmem:s6+$0x12270] =	vst.add.f32.msk $0xffff, v7  }
0x14c: {  	v7 =	vld [tilespmem:s6+$0x240]  }
0x14d: {  	v8 =	vld [tilespmem:s6+$0x250];
	s12 =	sshrl.u32 s11, $0xA  }
0x14e: {  	v9 =	vld [tilespmem:s6+$0x260];
	s12 =	sand.u32 $0x3F, s12  }
0x14f: {  	[tilespmem:s6+$0x12200] =	vst.add.f32.msk $0xffff, v5;
	s13 =	smul.u32 $0x6, s12  }
0x150: {  	[tilespmem:s6+$0x12210] =	vst.add.f32.msk $0xffff, v6  }
0x151: {  	[tilespmem:s6+$0x12220] =	vst.add.f32.msk $0xffff, v4;
	s12 =	sshrl.u32 s12, $0x3;
	s7 =	ssub.s32 s7, s13  }
0x152: {  	[tilespmem:s6+$0x12230] =	vst.add.f32.msk $0xffff, v3;
	s12 =	smul.u32 $0x1800, s12;
	s7 =	sand.u32 $0xFF, s7  }
0x153: {  	s20 =	sshrl.u32 s11, $0x3;
	[tilespmem:s6+$0x12240] =	vst.add.f32.msk $0xffff, v7;
	s7 =	sshll.u32 s7, $0xA  }
0x154: {  	s11 =	sand.u32 $0x380, s20;
	[tilespmem:s6+$0x12250] =	vst.add.f32.msk $0xffff, v8;
	s7 =	sadd.s32 s7, s12  }
0x155: {  	[tilespmem:s6+$0x12260] =	vst.add.f32.msk $0xffff, v9;
	s7 =	sor.u32 s11, s7  }
0x156: {  	v3 =	vld [tilespmem:s7+$0x270]  }
0x157: {  	v4 =	vld [tilespmem:s7+$0x200]  }
0x158: {  	v5 =	vld [tilespmem:s7+$0x210]  }
0x159: {  	v6 =	vld [tilespmem:s7+$0x220]  }
0x15a: {  	v7 =	vld [tilespmem:s7+$0x230]  }
0x15b: {  	v8 =	vld [tilespmem:s7+$0x250]  }
0x15c: {  	v9 =	vld [tilespmem:s7+$0x260]  }
0x15d: {  	[tilespmem:s7+$0x12270] =	vst.add.f32.msk $0xffff, v3  }
0x15e: {  	v3 =	vld [tilespmem:s7+$0x240]  }
0x15f: {  	[tilespmem:s7+$0x12200] =	vst.add.f32.msk $0xffff, v4  }
0x160: {  	s6 =	simm.s32 $0x0;
	[tilespmem:s7+$0x12210] =	vst.add.f32.msk $0xffff, v5  }
0x161: {  	s11 =	smul.u32 $0xAB, s6;
	[tilespmem:s7+$0x12220] =	vst.add.f32.msk $0xffff, v6  }
0x162: {  	[tilespmem:s7+$0x12230] =	vst.add.f32.msk $0xffff, v7  }
0x163: {  	s13 =	sshrl.u32 s11, $0xA;
	[tilespmem:s7+$0x12250] =	vst.add.f32.msk $0xffff, v8  }
0x164: {  	s12 =	sand.u32 $0x3F, s13;
	[tilespmem:s7+$0x12260] =	vst.add.f32.msk $0xffff, v9  }
0x165: {  	s20 =	rddreg [dreg:$0xa];
	[tilespmem:s7+$0x12240] =	vst.add.f32.msk $0xffff, v3;
	s7 =	smul.u32 $0x6, s12  }
0x166: {  	[hbm4b:s20+s6] =	stream.linear.scatter [tilespmem:s21], [sflag:$0x7], $0x6000, $0x38;
	[tilespmem:$0x1E200] =	vst v63  }
0x167: {  	s13 =	sshrl.u32 s12, $0x3;
	s7 =	ssub.s32 $0x0, s7  }
0x168: {  	s6 =	sand.u32 $0xFF, s7;
	s7 =	smul.u32 $0x1800, s13  }
0x169: {  	s11 =	sshrl.u32 s11, $0x3;
	_ =	swait.ge [sflag:s28], $0x6000;
	s6 =	sshll.u32 s6, $0xA  }
0x16a: {  	s20 =	sand.u32 $0x380, s11;
	[sflag:s28] =	ssyncset.done $0x0;
	s6 =	sadd.s32 s6, s7  }
0x16b: {  	[sflag:s28] =	ssyncadd.s32 $0xFFFFA000;
	s6 =	sor.u32 s20, s6  }
0x16c: {  	v7 =	vld [tilespmem:s6+$0x270]  }
0x16d: {  	v5 =	vld [tilespmem:s6+$0x200]  }
0x16e: {  	v6 =	vld [tilespmem:s6+$0x210]  }
0x16f: {  	v4 =	vld [tilespmem:s6+$0x220]  }
0x170: {  	s7 =	simm.s32 $0x1;
	v3 =	vld [tilespmem:s6+$0x230]  }
0x171: {  	s11 =	smul.u32 $0xAB, s7;
	s20 =	simm.s32 $0x2;
	[tilespmem:s6+$0x18270] =	vst.add.f32.msk $0xffff, v7  }
.LBB2_8:
0x172: {  	p0 =	sne.s32 s20, $0xBF;
	v7 =	vld [tilespmem:s6+$0x240]  }
0x173: {  	s12 =	sshrl.u32 s11, $0xA;
	v8 =	vld [tilespmem:s6+$0x250]  }
0x174: {  	s12 =	sand.u32 $0x3F, s12;
	v9 =	vld [tilespmem:s6+$0x260]  }
0x175: {  	s13 =	smul.u32 $0x6, s12;
	[tilespmem:s6+$0x18200] =	vst.add.f32.msk $0xffff, v5  }
0x176: {  	[tilespmem:s6+$0x18210] =	vst.add.f32.msk $0xffff, v6  }
0x177: {  	s12 =	sshrl.u32 s12, $0x3;
	s13 =	ssub.s32 s7, s13;
	[tilespmem:s6+$0x18220] =	vst.add.f32.msk $0xffff, v4;
	s7 =	smov.u32 s20  }
0x178: {  	s12 =	smul.u32 $0x1800, s12;
	s13 =	sand.u32 $0xFF, s13;
	[tilespmem:s6+$0x18230] =	vst.add.f32.msk $0xffff, v3  }
0x179: {  	s11 =	sshrl.u32 s11, $0x3;
	s13 =	sshll.u32 s13, $0xA;
	[tilespmem:s6+$0x18240] =	vst.add.f32.msk $0xffff, v7  }
0x17a: {  	s11 =	sand.u32 $0x380, s11;
	s12 =	sadd.s32 s13, s12;
	[tilespmem:s6+$0x18250] =	vst.add.f32.msk $0xffff, v8  }
0x17b: {  	[tilespmem:s6+$0x18260] =	vst.add.f32.msk $0xffff, v9;
	s6 =	sor.u32 s11, s12  }
0x17c: {  	v7 =	vld [tilespmem:s6+$0x270]  }
.Ltmp3:
0x17d: {  	v5 =	vld [tilespmem:s6+$0x200];
	(pc) =	sbr.rel @p0 .LBB2_8-.Ltmp3, $4  }
0x17e: {  	v6 =	vld [tilespmem:s6+$0x210]  }
0x17f: {  	v4 =	vld [tilespmem:s6+$0x220]  }
0x180: {  	v3 =	vld [tilespmem:s6+$0x230]  }
0x181: {  	s20 =	sadd.s32 $0x1, s20;
	s11 =	smul.u32 $0xAB, s7;
	[tilespmem:s6+$0x18270] =	vst.add.f32.msk $0xffff, v7  }
0x182: {  	v7 =	vld [tilespmem:s6+$0x240]  }
0x183: {  	v8 =	vld [tilespmem:s6+$0x250];
	s12 =	sshrl.u32 s11, $0xA  }
0x184: {  	v9 =	vld [tilespmem:s6+$0x260];
	s12 =	sand.u32 $0x3F, s12  }
0x185: {  	[tilespmem:s6+$0x18200] =	vst.add.f32.msk $0xffff, v5;
	s13 =	smul.u32 $0x6, s12  }
0x186: {  	[tilespmem:s6+$0x18210] =	vst.add.f32.msk $0xffff, v6  }
0x187: {  	[tilespmem:s6+$0x18220] =	vst.add.f32.msk $0xffff, v4;
	s12 =	sshrl.u32 s12, $0x3;
	s7 =	ssub.s32 s7, s13  }
0x188: {  	[tilespmem:s6+$0x18230] =	vst.add.f32.msk $0xffff, v3;
	s12 =	smul.u32 $0x1800, s12;
	s7 =	sand.u32 $0xFF, s7  }
0x189: {  	s20 =	sshrl.u32 s11, $0x3;
	[tilespmem:s6+$0x18240] =	vst.add.f32.msk $0xffff, v7;
	s7 =	sshll.u32 s7, $0xA  }
0x18a: {  	s11 =	sand.u32 $0x380, s20;
	[tilespmem:s6+$0x18250] =	vst.add.f32.msk $0xffff, v8;
	s7 =	sadd.s32 s7, s12  }
0x18b: {  	[tilespmem:s6+$0x18260] =	vst.add.f32.msk $0xffff, v9;
	s7 =	sor.u32 s11, s7  }
0x18c: {  	v3 =	vld [tilespmem:s7+$0x270]  }
0x18d: {  	v4 =	vld [tilespmem:s7+$0x200]  }
0x18e: {  	v5 =	vld [tilespmem:s7+$0x210]  }
0x18f: {  	v6 =	vld [tilespmem:s7+$0x220]  }
0x190: {  	v7 =	vld [tilespmem:s7+$0x230]  }
0x191: {  	v8 =	vld [tilespmem:s7+$0x250]  }
0x192: {  	v9 =	vld [tilespmem:s7+$0x260]  }
0x193: {  	[tilespmem:s7+$0x18270] =	vst.add.f32.msk $0xffff, v3  }
0x194: {  	v3 =	vld [tilespmem:s7+$0x240]  }
0x195: {  	[tilespmem:s7+$0x18200] =	vst.add.f32.msk $0xffff, v4  }
0x196: {  	[tilespmem:s7+$0x18210] =	vst.add.f32.msk $0xffff, v5  }
0x197: {  	[tilespmem:s7+$0x18220] =	vst.add.f32.msk $0xffff, v6  }
0x198: {  	[tilespmem:s7+$0x18230] =	vst.add.f32.msk $0xffff, v7  }
0x199: {  	[tilespmem:s7+$0x18250] =	vst.add.f32.msk $0xffff, v8  }
0x19a: {  	[tilespmem:s7+$0x18260] =	vst.add.f32.msk $0xffff, v9  }
0x19b: {  	[tilespmem:s7+$0x18240] =	vst.add.f32.msk $0xffff, v3  }
0x19c: {  	[hbm4b:s14+s3] =	stream.linear.scatter [tilespmem:s26], [sflag:$0x8], $0x6000, $0x38;
	[tilespmem:$0x1E200] =	vst v63  }
0x19d: {  	_ =	swait.ge [sflag:s29], $0x6000  }
0x19e: {  	[sflag:s29] =	ssyncset.done $0x0  }
0x19f: {  	[sflag:s29] =	ssyncadd.s32 $0xFFFFA000  }
0x1a0: {  	_ =	swait.ge [sflag:s30], $0x6000  }
0x1a1: {  	[sflag:s30] =	ssyncset.done $0x0  }
0x1a2: {  	s5 =	sadd.s32 $0x1, s5;
	[sflag:s30] =	ssyncadd.s32 $0xFFFFA000  }
0x1a3: {  	p0 =	sne.s32 s5, s15;
	_ =	swait.ge [sflag:s31], $0x6000  }
.Ltmp4:
0x1a4: {  	[sflag:s31] =	ssyncset.done $0x0;
	(pc) =	sbr.rel @p0 .LBB2_1-.Ltmp4, $4  }
0x1a5: {  	[sflag:s31] =	ssyncadd.s32 $0xFFFFA000  }
0x1a6: {  	_ =	swait.ge [sflag:s22], $0x6000  }
0x1a7: {  	[sflag:s22] =	ssyncset.done $0x0  }
0x1a8: {  	[sflag:s22] =	ssyncadd.s32 $0xFFFFA000  }
0x1a9: {  	_ =	sfence.sel $0x180000  }
0x1aa: {  	[bflag:$0x0] =	sbarrier.arrive $0xFFFF  }
0x1ab: {  	_ =	strace $0x90000047  }
0x1ac: {  	s0 =	stileid.u32;
	[bflag:$0x2] =	sbarrier.arrive $0xFFFF  }
0x1ad: {  	p0 =	sne.s32 s0, $0x0;
	s0 =	rddreg [dreg:$0x4]  }
0x1ae: {  	s0 =	sadd.s32 @!p0 $0x100000, s0  }
0x1af: {  	[sflag:s0] =	ssyncadd.tile.s32 @!p0 $0x1;
	_ =	shalt  }
.Lfunc_end2:
_tile_overlayer_lowered:
.L_overlay_start_2:
0x1b0: {  	(tag) =	ssettag $0x2  }
0x1b1: {  	s0 =	rddreg [dreg:$0x0];
	s2 =	stileid.u32  }
0x1b2: {  	s1 =	rddreg [dreg:$0x1];
	p0 =	sne.s32 s2, $0x0  }
0x1b3: {  	s3 =	rddreg [dreg:$0x2];
	[bflag:$0x3] =	sbarrier.arrive $0xFFFF;
	s2 =	simm.s32 @!p0 $0x1C0E  }
0x1b4: {  	[timem:s3], [sflag:s2] =	dma.local @!p0 [hbm:s0], s1  }
0x1b5: {  	s0 =	simm.s32 @!p0 $0xE  }
0x1b6: {  	_ =	swait.ge @!p0 [sflag:s0], s1  }
0x1b7: {  	s1 =	ssub.s32 @!p0 $0x0, s1;
	[sflag:s0] =	ssyncset.done @!p0 $0x0  }
0x1b8: {  	[sflag:s0] =	ssyncadd.s32 @!p0 s1  }
0x1b9: {  	[bflag:$0x3] =	sbarrier.arrive $0xFFFF  }
0x1ba: {  	_ =	shalt  }

</sc_bundles>
